<compile_context>
chip_gen: v7x
topology: tpu7x:2x2x1
jax: 0.10.2.dev20260603
libtpu: 0.0.44.dev20260713+nightly
codegen_flags: <defaults>
</compile_context>

<pallas_src>
import functools

import jax
import jax.numpy as jnp
import numpy as np
from jax import lax
from jax.experimental import pallas as pl
from jax.experimental.pallas import tpu as pltpu
from jax.experimental.pallas import tpu_sc as plsc

N = 10000
DF = 128
M = 5000
K = 16
RAD2 = np.float32(0.2 * 0.2)
DT = 128
BIG = np.int32(2 ** 30)

SC_NC, SC_NS = 2, 16
SC_NW = SC_NC * SC_NS
E_PAD = 81920
SC_CHUNK = 128
SC_CHUNKS = E_PAD // (SC_NW * SC_CHUNK)
SC_PER_W = E_PAD // SC_NW

QB_R = 256
G_R = 20
CH_R = 1024
NCH_R = (N + CH_R - 1) // CH_R
QB_M = 1000
F32 = jnp.float32
I32 = jnp.int32


FPS_W = 1280


def _fps_body(pos_ref, post_ref, sel_ref, posq_ref):
    iota = (lax.broadcasted_iota(I32, (8, FPS_W), 0) * FPS_W
            + lax.broadcasted_iota(I32, (8, FPS_W), 1))
    pad = iota >= N
    px_pl = post_ref[0]
    py_pl = post_ref[1]
    pz_pl = post_ref[2]
    neg_inf = jnp.float32(-jnp.inf)

    def dist_to(row):
        dx = px_pl - row[0:1, 0:1]
        dy = py_pl - row[0:1, 1:2]
        dz = pz_pl - row[0:1, 2:3]
        return (dx * dx + dz * dz) + dy * dy

    def argmax_first(mind):
        parts = [(mind[:, t * 128:(t + 1) * 128],
                  iota[:, t * 128:(t + 1) * 128]) for t in range(FPS_W // 128)]
        while len(parts) > 1:
            nxt_parts = []
            for j in range(0, len(parts) - 1, 2):
                (av, ai), (bv, bi) = parts[j], parts[j + 1]
                tb = (bv > av) | ((bv == av) & (bi < ai))
                nxt_parts.append((jnp.where(tb, bv, av),
                                  jnp.where(tb, bi, ai)))
            if len(parts) % 2:
                nxt_parts.append(parts[-1])
            parts = nxt_parts
        va, ia = parts[0]
        m = jnp.max(jnp.max(va, axis=0, keepdims=True), axis=1, keepdims=True)
        return jnp.min(jnp.where(va == m, ia, BIG))

    row0 = pos_ref[0:1, :]
    mind0 = jnp.where(pad, neg_inf, dist_to(row0))
    sel_ref[0:1, 0:1] = jnp.zeros((1, 1), I32)

    def body(i, carry):
        last, mind = carry
        row = pos_ref[pl.ds(last, 1), :]
        posq_ref[pl.ds(i - 1, 1), :] = row
        mind = jnp.minimum(mind, dist_to(row))
        nxt = argmax_first(mind)
        sel_ref[pl.ds(i, 1), 0:1] = jnp.broadcast_to(nxt, (1, 1))
        return nxt, mind

    last, _ = lax.fori_loop(1, M, body, (jnp.array(0, I32), mind0))
    posq_ref[pl.ds(M - 1, 1), :] = pos_ref[pl.ds(last, 1), :]


def _radius_body(posq_ref, post_ref, col_ref, valid_ref):
    c = pl.program_id(1)

    @pl.when(c == 0)
    def _():
        col_ref[:] = jnp.full((QB_R, K), BIG, I32)

    done = jnp.max(col_ref[:, K - 1:K]) < BIG

    @pl.when(jnp.logical_not(done))
    def _():
        base = c * CH_R
        dx = posq_ref[:, 0:1] - post_ref[0:1, :]
        dz = posq_ref[:, 2:3] - post_ref[2:3, :]
        d2 = dx * dx + dz * dz
        dy = posq_ref[:, 1:2] - post_ref[1:2, :]
        d2 = d2 + dy * dy
        key = jnp.where(d2 <= RAD2,
                        base + lax.broadcasted_iota(I32, (1, CH_R), 1), BIG)
        lane16 = lax.broadcasted_iota(I32, (1, K), 1)

        def slot(s, carry):
            col, cur = carry
            cand = jnp.min(jnp.where(key > cur, key, BIG), axis=1,
                           keepdims=True)
            col = jnp.where((lane16 == s) & (col == BIG), cand, col)
            cur = jnp.max(jnp.where(lane16 == s, col, -1), axis=1,
                          keepdims=True)
            return col, cur

        col0 = col_ref[:]
        cur0 = jnp.full((QB_R, 1), -1, I32)
        col, _ = lax.fori_loop(0, K, slot, (col0, cur0))
        col_ref[:] = col

    @pl.when(c == NCH_R - 1)
    def _():
        col = col_ref[:]
        found = col < N
        col_ref[:] = jnp.where(found, col, 0)
        valid_ref[:] = found.astype(F32)


def _table_body(x_ref, pos_ref, w1a_ref, w1p_ref, t_ref):
    u = jnp.dot(x_ref[:], w1a_ref[:], preferred_element_type=F32)
    p = pos_ref[:]
    for c in range(3):
        u = u + p[:, c:c + 1] * w1p_ref[c:c + 1, :]
    t_ref[:] = u


@functools.lru_cache(maxsize=1)
def _make_sc_gather_kernel():
    mesh = plsc.VectorSubcoreMesh(core_axis_name="c", subcore_axis_name="s")

    @functools.partial(
        pl.kernel,
        mesh=mesh,
        out_type=jax.ShapeDtypeStruct((E_PAD, DT), jnp.float32),
        scratch_types=[
            pltpu.VMEM((SC_CHUNKS, SC_CHUNK), jnp.int32),
            pltpu.VMEM((SC_CHUNK, DT), jnp.float32),
            pltpu.SemaphoreType.DMA,
        ],
    )
    def _sc_gather_kernel(t_hbm, idx_hbm, out_hbm, idx_v, rows_v, sem):
        wid = lax.axis_index("s") * SC_NC + lax.axis_index("c")
        base = wid * SC_PER_W
        pltpu.sync_copy(idx_hbm.at[wid], idx_v)
        for j in range(SC_CHUNKS):
            pltpu.async_copy(t_hbm.at[idx_v.at[j]], rows_v, sem).wait()
            pltpu.sync_copy(rows_v,
                            out_hbm.at[pl.ds(base + j * SC_CHUNK, SC_CHUNK)])

    return _sc_gather_kernel


def _sc_gather(table, idx_flat_pad):
    k = _make_sc_gather_kernel()
    return k(table, idx_flat_pad.reshape(SC_NW, SC_CHUNKS, SC_CHUNK))


def _mlp_body(g_ref, t_ref, posq_ref, valid_ref, w1p_ref, b1_ref, w2_ref,
              b2_ref, out_ref):
    s = pl.program_id(1)

    pq = posq_ref[:]
    q1 = b1_ref[:] - (pq[:, 0:1] * w1p_ref[0:1, :]
                      + pq[:, 1:2] * w1p_ref[1:2, :]
                      + pq[:, 2:3] * w1p_ref[2:3, :])

    def edge_mlp(u):
        a = jnp.maximum(u + q1, 0.0)
        return jnp.dot(a, w2_ref[:], preferred_element_type=F32) + b2_ref[:]

    h2 = edge_mlp(g_ref[:])
    lane = lax.broadcasted_iota(I32, (1, K), 1)
    v = jnp.max(jnp.where(lane == s, valid_ref[:], 0.0), axis=1,
                keepdims=True)
    h2m = jnp.where(v > 0.5, h2, -jnp.inf)

    @pl.when(s == 0)
    def _():
        h2s = edge_mlp(t_ref[:])
        out_ref[:] = jnp.maximum(h2s, h2m)

    @pl.when(s != 0)
    def _():
        out_ref[:] = jnp.maximum(out_ref[:], h2m)


def kernel(x, pos, batch, W1, b1, W2, b2, num_samples):
    pos_t = pos.T
    post_planes = jnp.pad(pos_t, ((0, 0), (0, 8 * FPS_W - N))).reshape(
        3, 8, FPS_W)

    sel2d, pos_q = pl.pallas_call(
        _fps_body,
        out_shape=(jax.ShapeDtypeStruct((M, 1), I32),
                   jax.ShapeDtypeStruct((M, 3), F32)),
    )(pos, post_planes)
    sel = sel2d[:, 0]

    col, valid = pl.pallas_call(
        _radius_body,
        grid=(G_R, NCH_R),
        in_specs=[pl.BlockSpec((QB_R, 3), lambda i, c: (i, 0)),
                  pl.BlockSpec((3, CH_R), lambda i, c: (0, c))],
        out_specs=(pl.BlockSpec((QB_R, K), lambda i, c: (i, 0)),
                   pl.BlockSpec((QB_R, K), lambda i, c: (i, 0))),
        out_shape=(jax.ShapeDtypeStruct((M, K), I32),
                   jax.ShapeDtypeStruct((M, K), F32)),
        compiler_params=pltpu.CompilerParams(
            dimension_semantics=("arbitrary", "arbitrary")),
    )(pos_q, pos_t)

    table = pl.pallas_call(
        _table_body,
        grid=(10,),
        in_specs=[pl.BlockSpec((1000, DF), lambda i: (i, 0)),
                  pl.BlockSpec((1000, 3), lambda i: (i, 0)),
                  pl.BlockSpec((DF, DF), lambda i: (0, 0)),
                  pl.BlockSpec((3, DF), lambda i: (0, 0))],
        out_specs=pl.BlockSpec((1000, DT), lambda i: (i, 0)),
        out_shape=jax.ShapeDtypeStruct((N, DT), F32),
    )(x, pos, W1[0:DF, :], W1[DF:DF + 3, :])

    idx_flat = jnp.concatenate(
        [col.T.reshape(-1), jnp.zeros((E_PAD - M * K,), I32)])
    g = _sc_gather(table, idx_flat)

    slot_ok = (jnp.arange(K, dtype=I32)[None, :] <
               jnp.asarray(num_samples, I32))
    validf = valid * slot_ok.astype(F32)

    out = pl.pallas_call(
        _mlp_body,
        grid=(M // QB_M, K),
        in_specs=[pl.BlockSpec((QB_M, DT), lambda qb, s: (s * (M // QB_M) + qb, 0)),
                  pl.BlockSpec((QB_M, DT), lambda qb, s: (qb, 0)),
                  pl.BlockSpec((QB_M, 3), lambda qb, s: (qb, 0)),
                  pl.BlockSpec((QB_M, K), lambda qb, s: (qb, 0)),
                  pl.BlockSpec((3, DF), lambda qb, s: (0, 0)),
                  pl.BlockSpec((1, DF), lambda qb, s: (0, 0)),
                  pl.BlockSpec((DF, 256), lambda qb, s: (0, 0)),
                  pl.BlockSpec((1, 256), lambda qb, s: (0, 0))],
        out_specs=pl.BlockSpec((QB_M, 256), lambda qb, s: (qb, 0)),
        out_shape=jax.ShapeDtypeStruct((M, 256), F32),
        compiler_params=pltpu.CompilerParams(
            dimension_semantics=("arbitrary", "arbitrary")),
    )(g, table, pos_q, validf, W1[DF:DF + 3, :], b1.reshape(1, DF), W2,
      b2.reshape(1, 256))

    return out, pos_q, batch[sel]

# --- scband reference (transcript-rebuilt; emitter-appended) ---
"""Pipeline reference for scband-point-net-pp-54700703482023 (READ-ONLY COPY).

The authoritative reference and input builder live on the scoring server;
editing this copy changes nothing except your own understanding.
"""

import jax, jax.numpy as jnp
import numpy as np

RATIO = 0.5
R = 0.2
NUM_SAMPLES = 16

def fps_jax(pos, ratio):
    N = pos.shape[0]
    M = int(np.ceil(ratio * N))
    sel0 = jnp.zeros((M,), dtype=jnp.int32)
    min_d0 = jnp.sum((pos - pos[0]) ** 2, axis=-1)
    def body(i, state):
        sel, min_d = state
        last = sel[i - 1]
        d = jnp.sum((pos - pos[last]) ** 2, axis=-1)
        min_d = jnp.minimum(min_d, d)
        nxt = jnp.argmax(min_d).astype(jnp.int32)
        return sel.at[i].set(nxt), min_d
    sel, _ = jax.lax.fori_loop(1, M, body, (sel0, min_d0))
    return sel

def radius_jax(pos, query, r, k):
    # for each query, up to k neighbors (by first-index order, like torch_cluster) with d <= r
    d2 = jnp.sum((query[:, None, :] - pos[None, :, :]) ** 2, axis=-1)
    N = pos.shape[0]
    key = jnp.where(d2 <= r * r, jnp.arange(N, dtype=jnp.int32)[None, :], N)
    neg_vals, _ = jax.lax.top_k(-key, k)
    col = -neg_vals
    valid = col < N
    col = jnp.where(valid, col, 0)
    return col, valid

def mlp(msg, W1, b1, W2, b2):
    return jax.nn.relu(msg @ W1 + b1) @ W2 + b2

def setup_inputs(seed: int = 0):
    key = jax.random.key(seed)
    ks = jax.random.split(key, 8)
    N, d = 10000, 128
    x = jax.random.normal(ks[0], (N, d), dtype=jnp.float32)
    pos = jax.random.uniform(ks[1], (N, 3), dtype=jnp.float32)
    batch = jnp.zeros((N,), dtype=jnp.int32)
    W1 = jax.random.normal(ks[2], (d + 3, 128), dtype=jnp.float32) * (1.0 / np.sqrt(d + 3))
    b1 = jnp.zeros((128,), dtype=jnp.float32)
    W2 = jax.random.normal(ks[3], (128, 256), dtype=jnp.float32) * (1.0 / np.sqrt(128))
    b2 = jnp.zeros((256,), dtype=jnp.float32)
    return {"x": x, "pos": pos, "batch": batch, "W1": W1, "b1": b1, "W2": W2, "b2": b2, "num_samples": 16}

def reference(x, pos, batch, W1, b1, W2, b2, num_samples=16):
    idx = jax.lax.stop_gradient(fps_jax(pos, RATIO))
    pos_q = pos[idx]
    col, valid = radius_jax(pos, pos_q, R, NUM_SAMPLES)
    valid = valid & (jnp.arange(NUM_SAMPLES, dtype=jnp.int32)[None, :] < num_samples)
    col = jax.lax.stop_gradient(col)
    # PointNetConv message: local_nn(cat([x_j, pos_j - pos_i])), max aggregation
    rel = pos[col] - pos_q[:, None, :]
    msg = jnp.concatenate([x[col], rel], axis=-1)
    h = mlp(msg, W1, b1, W2, b2)
    h = jnp.where(valid[:, :, None], h, -jnp.inf)
    # add_self_loops: edges (i, i) for i < M, source i indexes the full point set (PyG semantics)
    M = pos_q.shape[0]
    i_arr = jnp.arange(M)
    rel_s = pos[i_arr] - pos_q
    msg_s = jnp.concatenate([x[i_arr], rel_s], axis=-1)
    h_s = mlp(msg_s, W1, b1, W2, b2)
    out = jnp.maximum(jnp.max(h, axis=1), h_s)
    return out, pos_q, batch[idx]

if __name__ == "__main__":
    import jax
    _d = setup_inputs()
    print(jax.jit(kernel)(*tuple(_d.values())))

</pallas_src>

<mosaic_0001>
#map = affine_map<(d0, d1) -> (0, 0)>
#map1 = affine_map<(d0, d1) -> (0, 0, 0)>
module attributes {stable_mosaic.version = 14 : i64} {
  func.func @_sc_gather_kernel(%arg0: i32, %arg1: i32, %arg2: memref<10000x128xf32, #tpu.memory_space<hbm>>, %arg3: memref<32x20x128xi32, #tpu.memory_space<hbm>>, %arg4: memref<81920x128xf32, #tpu.memory_space<hbm>>, %arg5: memref<20x128xi32, #tpu.memory_space<vmem>>, %arg6: memref<128x128xf32, #tpu.memory_space<vmem>>, %arg7: memref<!tpu.dma_semaphore, #tpu.memory_space<semaphore_mem>>) attributes {dimension_semantics = [#tpu.dimension_semantics<core_parallel>, #tpu.dimension_semantics<subcore_parallel>], iteration_bounds = array<i64: 2, 16>, scalar_prefetch = 0 : i64, scratch_operands = 3 : i64, tpu.core_type = #tpu.core_type<sc_vector_subcore>, window_params = [{transform_indices = #map}, {transform_indices = #map1}, {transform_indices = #map}]} {
    %mul3A = arith.constant 2 : i32
    %mul3A_0 = arith.muli %arg1, %mul3A : i32
    %add3A = arith.addi %mul3A_0, %arg0 : i32
    %mul3A_1 = arith.constant 2560 : i32
    %mul3A_2 = arith.muli %add3A, %mul3A_1 : i32
    "tpu.region"() ({
      %run_scoped3A = tpu.sem_alloc : memref<!tpu.dma_semaphore, #tpu.memory_space<semaphore_mem>>
      %dma_start3A_321 = arith.constant 0 : i32
      %dma_start3A_322 = arith.constant 0 : i32
      %dma_start3A_323 = tpu.memref_slice %arg3[%add3A, %dma_start3A_321, %dma_start3A_322] : memref<32x20x128xi32, #tpu.memory_space<hbm>> -> memref<1x20x128xi32, #tpu.memory_space<hbm>>
      %dma_start3A_324 = tpu.memref_squeeze %dma_start3A_323 : memref<1x20x128xi32, #tpu.memory_space<hbm>> -> memref<20x128xi32, #tpu.memory_space<hbm>>
      %dma_start3A_325 = arith.constant 0 : i32
      %dma_start3A_326 = arith.constant 0 : i32
      %dma_start3A_327 = tpu.memref_slice %arg3[%add3A, %dma_start3A_325, %dma_start3A_326] : memref<32x20x128xi32, #tpu.memory_space<hbm>> -> memref<1x20x128xi32, #tpu.memory_space<hbm>>
      %dma_start3A_328 = tpu.memref_squeeze %dma_start3A_327 : memref<1x20x128xi32, #tpu.memory_space<hbm>> -> memref<20x128xi32, #tpu.memory_space<hbm>>
      tpu.enqueue_dma source(%dma_start3A_328 : memref<20x128xi32, #tpu.memory_space<hbm>>) target(%arg5 : memref<20x128xi32, #tpu.memory_space<vmem>>) target_semaphore(%run_scoped3A : memref<!tpu.dma_semaphore, #tpu.memory_space<semaphore_mem>>)
      %dma_wait3A_329 = arith.constant 0 : i32
      %dma_wait3A_330 = arith.constant 0 : i32
      %dma_wait3A_331 = tpu.memref_slice %arg3[%add3A, %dma_wait3A_329, %dma_wait3A_330] : memref<32x20x128xi32, #tpu.memory_space<hbm>> -> memref<1x20x128xi32, #tpu.memory_space<hbm>>
      %dma_wait3A_332 = tpu.memref_squeeze %dma_wait3A_331 : memref<1x20x128xi32, #tpu.memory_space<hbm>> -> memref<20x128xi32, #tpu.memory_space<hbm>>
      %dma_wait3A_333 = arith.constant 0 : i32
      %dma_wait3A_334 = arith.constant 0 : i32
      %dma_wait3A_335 = tpu.memref_slice %arg3[%add3A, %dma_wait3A_333, %dma_wait3A_334] : memref<32x20x128xi32, #tpu.memory_space<hbm>> -> memref<1x20x128xi32, #tpu.memory_space<hbm>>
      %dma_wait3A_336 = tpu.memref_squeeze %dma_wait3A_335 : memref<1x20x128xi32, #tpu.memory_space<hbm>> -> memref<20x128xi32, #tpu.memory_space<hbm>>
      tpu.wait_dma2 semaphore(%run_scoped3A : memref<!tpu.dma_semaphore, #tpu.memory_space<semaphore_mem>>) src(%dma_wait3A_336 : memref<20x128xi32, #tpu.memory_space<hbm>>) dst(%arg5 : memref<20x128xi32, #tpu.memory_space<vmem>>)
      tpu.yield
    }) : () -> ()
    %dma_start3A = arith.constant 0 : i32
    %dma_start3A_3 = arith.constant 0 : i32
    %dma_start3A_4 = tpu.memref_slice %arg5[%dma_start3A, %dma_start3A_3] : memref<20x128xi32, #tpu.memory_space<vmem>> -> memref<1x128xi32, #tpu.memory_space<vmem>>
    %dma_start3A_5 = tpu.memref_squeeze %dma_start3A_4 : memref<1x128xi32, #tpu.memory_space<vmem>> -> memref<128xi32, #tpu.memory_space<vmem>>
    %dma_start3A_6 = arith.constant 0 : i32
    %dma_start3A_7 = arith.constant 0 : i32
    %dma_start3A_8 = tpu.memref_slice %arg2[%dma_start3A_6, %dma_start3A_7] : memref<10000x128xf32, #tpu.memory_space<hbm>> -> memref<10000x128xf32, #tpu.memory_space<hbm>>
    tpu.enqueue_indirect_dma source(%dma_start3A_8 : memref<10000x128xf32, #tpu.memory_space<hbm>>) target(%arg6 : memref<128x128xf32, #tpu.memory_space<vmem>>) offsets(%dma_start3A_5 : memref<128xi32, #tpu.memory_space<vmem>>) semaphore(%arg7 : memref<!tpu.dma_semaphore, #tpu.memory_space<semaphore_mem>>)
    %dma_wait3A = arith.constant 0 : i32
    %dma_wait3A_9 = arith.constant 0 : i32
    %dma_wait3A_10 = tpu.memref_slice %arg5[%dma_wait3A, %dma_wait3A_9] : memref<20x128xi32, #tpu.memory_space<vmem>> -> memref<1x128xi32, #tpu.memory_space<vmem>>
    %dma_wait3A_11 = tpu.memref_squeeze %dma_wait3A_10 : memref<1x128xi32, #tpu.memory_space<vmem>> -> memref<128xi32, #tpu.memory_space<vmem>>
    %dma_wait3A_12 = arith.constant 0 : i32
    %dma_wait3A_13 = arith.constant 0 : i32
    %dma_wait3A_14 = tpu.memref_slice %arg2[%dma_wait3A_12, %dma_wait3A_13] : memref<10000x128xf32, #tpu.memory_space<hbm>> -> memref<10000x128xf32, #tpu.memory_space<hbm>>
    tpu.wait_indirect_dma semaphore(%arg7 : memref<!tpu.dma_semaphore, #tpu.memory_space<semaphore_mem>>) src(%dma_wait3A_14 : memref<10000x128xf32, #tpu.memory_space<hbm>>) dst(%arg6 : memref<128x128xf32, #tpu.memory_space<vmem>>)
    %add3A_15 = arith.constant 0 : i32
    %add3A_16 = arith.addi %mul3A_2, %add3A_15 : i32
    "tpu.region"() ({
      %run_scoped3A = tpu.sem_alloc : memref<!tpu.dma_semaphore, #tpu.memory_space<semaphore_mem>>
      %dma_start3A_321 = arith.constant 0 : i32
      %dma_start3A_322 = tpu.memref_slice %arg4[%add3A_16, %dma_start3A_321] : memref<81920x128xf32, #tpu.memory_space<hbm>> -> memref<128x128xf32, #tpu.memory_space<hbm>>
      %dma_start3A_323 = arith.constant 0 : i32
      %dma_start3A_324 = tpu.memref_slice %arg4[%add3A_16, %dma_start3A_323] : memref<81920x128xf32, #tpu.memory_space<hbm>> -> memref<128x128xf32, #tpu.memory_space<hbm>>
      tpu.enqueue_dma source(%arg6 : memref<128x128xf32, #tpu.memory_space<vmem>>) target(%dma_start3A_324 : memref<128x128xf32, #tpu.memory_space<hbm>>) target_semaphore(%run_scoped3A : memref<!tpu.dma_semaphore, #tpu.memory_space<semaphore_mem>>)
      %dma_wait3A_325 = arith.constant 0 : i32
      %dma_wait3A_326 = tpu.memref_slice %arg4[%add3A_16, %dma_wait3A_325] : memref<81920x128xf32, #tpu.memory_space<hbm>> -> memref<128x128xf32, #tpu.memory_space<hbm>>
      %dma_wait3A_327 = arith.constant 0 : i32
      %dma_wait3A_328 = tpu.memref_slice %arg4[%add3A_16, %dma_wait3A_327] : memref<81920x128xf32, #tpu.memory_space<hbm>> -> memref<128x128xf32, #tpu.memory_space<hbm>>
      tpu.wait_dma2 semaphore(%run_scoped3A : memref<!tpu.dma_semaphore, #tpu.memory_space<semaphore_mem>>) src(%arg6 : memref<128x128xf32, #tpu.memory_space<vmem>>) dst(%dma_wait3A_328 : memref<128x128xf32, #tpu.memory_space<hbm>>)
      tpu.yield
    }) : () -> ()
    %dma_start3A_17 = arith.constant 1 : i32
    %dma_start3A_18 = arith.constant 0 : i32
    %dma_start3A_19 = tpu.memref_slice %arg5[%dma_start3A_17, %dma_start3A_18] : memref<20x128xi32, #tpu.memory_space<vmem>> -> memref<1x128xi32, #tpu.memory_space<vmem>>
    %dma_start3A_20 = tpu.memref_squeeze %dma_start3A_19 : memref<1x128xi32, #tpu.memory_space<vmem>> -> memref<128xi32, #tpu.memory_space<vmem>>
    %dma_start3A_21 = arith.constant 0 : i32
    %dma_start3A_22 = arith.constant 0 : i32
    %dma_start3A_23 = tpu.memref_slice %arg2[%dma_start3A_21, %dma_start3A_22] : memref<10000x128xf32, #tpu.memory_space<hbm>> -> memref<10000x128xf32, #tpu.memory_space<hbm>>
    tpu.enqueue_indirect_dma source(%dma_start3A_23 : memref<10000x128xf32, #tpu.memory_space<hbm>>) target(%arg6 : memref<128x128xf32, #tpu.memory_space<vmem>>) offsets(%dma_start3A_20 : memref<128xi32, #tpu.memory_space<vmem>>) semaphore(%arg7 : memref<!tpu.dma_semaphore, #tpu.memory_space<semaphore_mem>>)
    %dma_wait3A_24 = arith.constant 1 : i32
    %dma_wait3A_25 = arith.constant 0 : i32
    %dma_wait3A_26 = tpu.memref_slice %arg5[%dma_wait3A_24, %dma_wait3A_25] : memref<20x128xi32, #tpu.memory_space<vmem>> -> memref<1x128xi32, #tpu.memory_space<vmem>>
    %dma_wait3A_27 = tpu.memref_squeeze %dma_wait3A_26 : memref<1x128xi32, #tpu.memory_space<vmem>> -> memref<128xi32, #tpu.memory_space<vmem>>
    %dma_wait3A_28 = arith.constant 0 : i32
    %dma_wait3A_29 = arith.constant 0 : i32
    %dma_wait3A_30 = tpu.memref_slice %arg2[%dma_wait3A_28, %dma_wait3A_29] : memref<10000x128xf32, #tpu.memory_space<hbm>> -> memref<10000x128xf32, #tpu.memory_space<hbm>>
    tpu.wait_indirect_dma semaphore(%arg7 : memref<!tpu.dma_semaphore, #tpu.memory_space<semaphore_mem>>) src(%dma_wait3A_30 : memref<10000x128xf32, #tpu.memory_space<hbm>>) dst(%arg6 : memref<128x128xf32, #tpu.memory_space<vmem>>)
    %add3A_31 = arith.constant 128 : i32
    %add3A_32 = arith.addi %mul3A_2, %add3A_31 : i32
    "tpu.region"() ({
      %run_scoped3A = tpu.sem_alloc : memref<!tpu.dma_semaphore, #tpu.memory_space<semaphore_mem>>
      %dma_start3A_321 = arith.constant 0 : i32
      %dma_start3A_322 = tpu.memref_slice %arg4[%add3A_32, %dma_start3A_321] : memref<81920x128xf32, #tpu.memory_space<hbm>> -> memref<128x128xf32, #tpu.memory_space<hbm>>
      %dma_start3A_323 = arith.constant 0 : i32
      %dma_start3A_324 = tpu.memref_slice %arg4[%add3A_32, %dma_start3A_323] : memref<81920x128xf32, #tpu.memory_space<hbm>> -> memref<128x128xf32, #tpu.memory_space<hbm>>
      tpu.enqueue_dma source(%arg6 : memref<128x128xf32, #tpu.memory_space<vmem>>) target(%dma_start3A_324 : memref<128x128xf32, #tpu.memory_space<hbm>>) target_semaphore(%run_scoped3A : memref<!tpu.dma_semaphore, #tpu.memory_space<semaphore_mem>>)
      %dma_wait3A_325 = arith.constant 0 : i32
      %dma_wait3A_326 = tpu.memref_slice %arg4[%add3A_32, %dma_wait3A_325] : memref<81920x128xf32, #tpu.memory_space<hbm>> -> memref<128x128xf32, #tpu.memory_space<hbm>>
      %dma_wait3A_327 = arith.constant 0 : i32
      %dma_wait3A_328 = tpu.memref_slice %arg4[%add3A_32, %dma_wait3A_327] : memref<81920x128xf32, #tpu.memory_space<hbm>> -> memref<128x128xf32, #tpu.memory_space<hbm>>
      tpu.wait_dma2 semaphore(%run_scoped3A : memref<!tpu.dma_semaphore, #tpu.memory_space<semaphore_mem>>) src(%arg6 : memref<128x128xf32, #tpu.memory_space<vmem>>) dst(%dma_wait3A_328 : memref<128x128xf32, #tpu.memory_space<hbm>>)
      tpu.yield
    }) : () -> ()
    %dma_start3A_33 = arith.constant 2 : i32
    %dma_start3A_34 = arith.constant 0 : i32
    %dma_start3A_35 = tpu.memref_slice %arg5[%dma_start3A_33, %dma_start3A_34] : memref<20x128xi32, #tpu.memory_space<vmem>> -> memref<1x128xi32, #tpu.memory_space<vmem>>
    %dma_start3A_36 = tpu.memref_squeeze %dma_start3A_35 : memref<1x128xi32, #tpu.memory_space<vmem>> -> memref<128xi32, #tpu.memory_space<vmem>>
    %dma_start3A_37 = arith.constant 0 : i32
    %dma_start3A_38 = arith.constant 0 : i32
    %dma_start3A_39 = tpu.memref_slice %arg2[%dma_start3A_37, %dma_start3A_38] : memref<10000x128xf32, #tpu.memory_space<hbm>> -> memref<10000x128xf32, #tpu.memory_space<hbm>>
    tpu.enqueue_indirect_dma source(%dma_start3A_39 : memref<10000x128xf32, #tpu.memory_space<hbm>>) target(%arg6 : memref<128x128xf32, #tpu.memory_space<vmem>>) offsets(%dma_start3A_36 : memref<128xi32, #tpu.memory_space<vmem>>) semaphore(%arg7 : memref<!tpu.dma_semaphore, #tpu.memory_space<semaphore_mem>>)
    %dma_wait3A_40 = arith.constant 2 : i32
    %dma_wait3A_41 = arith.constant 0 : i32
    %dma_wait3A_42 = tpu.memref_slice %arg5[%dma_wait3A_40, %dma_wait3A_41] : memref<20x128xi32, #tpu.memory_space<vmem>> -> memref<1x128xi32, #tpu.memory_space<vmem>>
    %dma_wait3A_43 = tpu.memref_squeeze %dma_wait3A_42 : memref<1x128xi32, #tpu.memory_space<vmem>> -> memref<128xi32, #tpu.memory_space<vmem>>
    %dma_wait3A_44 = arith.constant 0 : i32
    %dma_wait3A_45 = arith.constant 0 : i32
    %dma_wait3A_46 = tpu.memref_slice %arg2[%dma_wait3A_44, %dma_wait3A_45] : memref<10000x128xf32, #tpu.memory_space<hbm>> -> memref<10000x128xf32, #tpu.memory_space<hbm>>
    tpu.wait_indirect_dma semaphore(%arg7 : memref<!tpu.dma_semaphore, #tpu.memory_space<semaphore_mem>>) src(%dma_wait3A_46 : memref<10000x128xf32, #tpu.memory_space<hbm>>) dst(%arg6 : memref<128x128xf32, #tpu.memory_space<vmem>>)
    %add3A_47 = arith.constant 256 : i32
    %add3A_48 = arith.addi %mul3A_2, %add3A_47 : i32
    "tpu.region"() ({
      %run_scoped3A = tpu.sem_alloc : memref<!tpu.dma_semaphore, #tpu.memory_space<semaphore_mem>>
      %dma_start3A_321 = arith.constant 0 : i32
      %dma_start3A_322 = tpu.memref_slice %arg4[%add3A_48, %dma_start3A_321] : memref<81920x128xf32, #tpu.memory_space<hbm>> -> memref<128x128xf32, #tpu.memory_space<hbm>>
      %dma_start3A_323 = arith.constant 0 : i32
      %dma_start3A_324 = tpu.memref_slice %arg4[%add3A_48, %dma_start3A_323] : memref<81920x128xf32, #tpu.memory_space<hbm>> -> memref<128x128xf32, #tpu.memory_space<hbm>>
      tpu.enqueue_dma source(%arg6 : memref<128x128xf32, #tpu.memory_space<vmem>>) target(%dma_start3A_324 : memref<128x128xf32, #tpu.memory_space<hbm>>) target_semaphore(%run_scoped3A : memref<!tpu.dma_semaphore, #tpu.memory_space<semaphore_mem>>)
      %dma_wait3A_325 = arith.constant 0 : i32
      %dma_wait3A_326 = tpu.memref_slice %arg4[%add3A_48, %dma_wait3A_325] : memref<81920x128xf32, #tpu.memory_space<hbm>> -> memref<128x128xf32, #tpu.memory_space<hbm>>
      %dma_wait3A_327 = arith.constant 0 : i32
      %dma_wait3A_328 = tpu.memref_slice %arg4[%add3A_48, %dma_wait3A_327] : memref<81920x128xf32, #tpu.memory_space<hbm>> -> memref<128x128xf32, #tpu.memory_space<hbm>>
      tpu.wait_dma2 semaphore(%run_scoped3A : memref<!tpu.dma_semaphore, #tpu.memory_space<semaphore_mem>>) src(%arg6 : memref<128x128xf32, #tpu.memory_space<vmem>>) dst(%dma_wait3A_328 : memref<128x128xf32, #tpu.memory_space<hbm>>)
      tpu.yield
    }) : () -> ()
    %dma_start3A_49 = arith.constant 3 : i32
    %dma_start3A_50 = arith.constant 0 : i32
    %dma_start3A_51 = tpu.memref_slice %arg5[%dma_start3A_49, %dma_start3A_50] : memref<20x128xi32, #tpu.memory_space<vmem>> -> memref<1x128xi32, #tpu.memory_space<vmem>>
    %dma_start3A_52 = tpu.memref_squeeze %dma_start3A_51 : memref<1x128xi32, #tpu.memory_space<vmem>> -> memref<128xi32, #tpu.memory_space<vmem>>
    %dma_start3A_53 = arith.constant 0 : i32
    %dma_start3A_54 = arith.constant 0 : i32
    %dma_start3A_55 = tpu.memref_slice %arg2[%dma_start3A_53, %dma_start3A_54] : memref<10000x128xf32, #tpu.memory_space<hbm>> -> memref<10000x128xf32, #tpu.memory_space<hbm>>
    tpu.enqueue_indirect_dma source(%dma_start3A_55 : memref<10000x128xf32, #tpu.memory_space<hbm>>) target(%arg6 : memref<128x128xf32, #tpu.memory_space<vmem>>) offsets(%dma_start3A_52 : memref<128xi32, #tpu.memory_space<vmem>>) semaphore(%arg7 : memref<!tpu.dma_semaphore, #tpu.memory_space<semaphore_mem>>)
    %dma_wait3A_56 = arith.constant 3 : i32
    %dma_wait3A_57 = arith.constant 0 : i32
    %dma_wait3A_58 = tpu.memref_slice %arg5[%dma_wait3A_56, %dma_wait3A_57] : memref<20x128xi32, #tpu.memory_space<vmem>> -> memref<1x128xi32, #tpu.memory_space<vmem>>
    %dma_wait3A_59 = tpu.memref_squeeze %dma_wait3A_58 : memref<1x128xi32, #tpu.memory_space<vmem>> -> memref<128xi32, #tpu.memory_space<vmem>>
    %dma_wait3A_60 = arith.constant 0 : i32
    %dma_wait3A_61 = arith.constant 0 : i32
    %dma_wait3A_62 = tpu.memref_slice %arg2[%dma_wait3A_60, %dma_wait3A_61] : memref<10000x128xf32, #tpu.memory_space<hbm>> -> memref<10000x128xf32, #tpu.memory_space<hbm>>
    tpu.wait_indirect_dma semaphore(%arg7 : memref<!tpu.dma_semaphore, #tpu.memory_space<semaphore_mem>>) src(%dma_wait3A_62 : memref<10000x128xf32, #tpu.memory_space<hbm>>) dst(%arg6 : memref<128x128xf32, #tpu.memory_space<vmem>>)
    %add3A_63 = arith.constant 384 : i32
    %add3A_64 = arith.addi %mul3A_2, %add3A_63 : i32
    "tpu.region"() ({
      %run_scoped3A = tpu.sem_alloc : memref<!tpu.dma_semaphore, #tpu.memory_space<semaphore_mem>>
      %dma_start3A_321 = arith.constant 0 : i32
      %dma_start3A_322 = tpu.memref_slice %arg4[%add3A_64, %dma_start3A_321] : memref<81920x128xf32, #tpu.memory_space<hbm>> -> memref<128x128xf32, #tpu.memory_space<hbm>>
      %dma_start3A_323 = arith.constant 0 : i32
      %dma_start3A_324 = tpu.memref_slice %arg4[%add3A_64, %dma_start3A_323] : memref<81920x128xf32, #tpu.memory_space<hbm>> -> memref<128x128xf32, #tpu.memory_space<hbm>>
      tpu.enqueue_dma source(%arg6 : memref<128x128xf32, #tpu.memory_space<vmem>>) target(%dma_start3A_324 : memref<128x128xf32, #tpu.memory_space<hbm>>) target_semaphore(%run_scoped3A : memref<!tpu.dma_semaphore, #tpu.memory_space<semaphore_mem>>)
      %dma_wait3A_325 = arith.constant 0 : i32
      %dma_wait3A_326 = tpu.memref_slice %arg4[%add3A_64, %dma_wait3A_325] : memref<81920x128xf32, #tpu.memory_space<hbm>> -> memref<128x128xf32, #tpu.memory_space<hbm>>
      %dma_wait3A_327 = arith.constant 0 : i32
      %dma_wait3A_328 = tpu.memref_slice %arg4[%add3A_64, %dma_wait3A_327] : memref<81920x128xf32, #tpu.memory_space<hbm>> -> memref<128x128xf32, #tpu.memory_space<hbm>>
      tpu.wait_dma2 semaphore(%run_scoped3A : memref<!tpu.dma_semaphore, #tpu.memory_space<semaphore_mem>>) src(%arg6 : memref<128x128xf32, #tpu.memory_space<vmem>>) dst(%dma_wait3A_328 : memref<128x128xf32, #tpu.memory_space<hbm>>)
      tpu.yield
    }) : () -> ()
    %dma_start3A_65 = arith.constant 4 : i32
    %dma_start3A_66 = arith.constant 0 : i32
    %dma_start3A_67 = tpu.memref_slice %arg5[%dma_start3A_65, %dma_start3A_66] : memref<20x128xi32, #tpu.memory_space<vmem>> -> memref<1x128xi32, #tpu.memory_space<vmem>>
    %dma_start3A_68 = tpu.memref_squeeze %dma_start3A_67 : memref<1x128xi32, #tpu.memory_space<vmem>> -> memref<128xi32, #tpu.memory_space<vmem>>
    %dma_start3A_69 = arith.constant 0 : i32
    %dma_start3A_70 = arith.constant 0 : i32
    %dma_start3A_71 = tpu.memref_slice %arg2[%dma_start3A_69, %dma_start3A_70] : memref<10000x128xf32, #tpu.memory_space<hbm>> -> memref<10000x128xf32, #tpu.memory_space<hbm>>
    tpu.enqueue_indirect_dma source(%dma_start3A_71 : memref<10000x128xf32, #tpu.memory_space<hbm>>) target(%arg6 : memref<128x128xf32, #tpu.memory_space<vmem>>) offsets(%dma_start3A_68 : memref<128xi32, #tpu.memory_space<vmem>>) semaphore(%arg7 : memref<!tpu.dma_semaphore, #tpu.memory_space<semaphore_mem>>)
    %dma_wait3A_72 = arith.constant 4 : i32
    %dma_wait3A_73 = arith.constant 0 : i32
    %dma_wait3A_74 = tpu.memref_slice %arg5[%dma_wait3A_72, %dma_wait3A_73] : memref<20x128xi32, #tpu.memory_space<vmem>> -> memref<1x128xi32, #tpu.memory_space<vmem>>
    %dma_wait3A_75 = tpu.memref_squeeze %dma_wait3A_74 : memref<1x128xi32, #tpu.memory_space<vmem>> -> memref<128xi32, #tpu.memory_space<vmem>>
    %dma_wait3A_76 = arith.constant 0 : i32
    %dma_wait3A_77 = arith.constant 0 : i32
    %dma_wait3A_78 = tpu.memref_slice %arg2[%dma_wait3A_76, %dma_wait3A_77] : memref<10000x128xf32, #tpu.memory_space<hbm>> -> memref<10000x128xf32, #tpu.memory_space<hbm>>
    tpu.wait_indirect_dma semaphore(%arg7 : memref<!tpu.dma_semaphore, #tpu.memory_space<semaphore_mem>>) src(%dma_wait3A_78 : memref<10000x128xf32, #tpu.memory_space<hbm>>) dst(%arg6 : memref<128x128xf32, #tpu.memory_space<vmem>>)
    %add3A_79 = arith.constant 512 : i32
    %add3A_80 = arith.addi %mul3A_2, %add3A_79 : i32
    "tpu.region"() ({
      %run_scoped3A = tpu.sem_alloc : memref<!tpu.dma_semaphore, #tpu.memory_space<semaphore_mem>>
      %dma_start3A_321 = arith.constant 0 : i32
      %dma_start3A_322 = tpu.memref_slice %arg4[%add3A_80, %dma_start3A_321] : memref<81920x128xf32, #tpu.memory_space<hbm>> -> memref<128x128xf32, #tpu.memory_space<hbm>>
      %dma_start3A_323 = arith.constant 0 : i32
      %dma_start3A_324 = tpu.memref_slice %arg4[%add3A_80, %dma_start3A_323] : memref<81920x128xf32, #tpu.memory_space<hbm>> -> memref<128x128xf32, #tpu.memory_space<hbm>>
      tpu.enqueue_dma source(%arg6 : memref<128x128xf32, #tpu.memory_space<vmem>>) target(%dma_start3A_324 : memref<128x128xf32, #tpu.memory_space<hbm>>) target_semaphore(%run_scoped3A : memref<!tpu.dma_semaphore, #tpu.memory_space<semaphore_mem>>)
      %dma_wait3A_325 = arith.constant 0 : i32
      %dma_wait3A_326 = tpu.memref_slice %arg4[%add3A_80, %dma_wait3A_325] : memref<81920x128xf32, #tpu.memory_space<hbm>> -> memref<128x128xf32, #tpu.memory_space<hbm>>
      %dma_wait3A_327 = arith.constant 0 : i32
      %dma_wait3A_328 = tpu.memref_slice %arg4[%add3A_80, %dma_wait3A_327] : memref<81920x128xf32, #tpu.memory_space<hbm>> -> memref<128x128xf32, #tpu.memory_space<hbm>>
      tpu.wait_dma2 semaphore(%run_scoped3A : memref<!tpu.dma_semaphore, #tpu.memory_space<semaphore_mem>>) src(%arg6 : memref<128x128xf32, #tpu.memory_space<vmem>>) dst(%dma_wait3A_328 : memref<128x128xf32, #tpu.memory_space<hbm>>)
      tpu.yield
    }) : () -> ()
    %dma_start3A_81 = arith.constant 5 : i32
    %dma_start3A_82 = arith.constant 0 : i32
    %dma_start3A_83 = tpu.memref_slice %arg5[%dma_start3A_81, %dma_start3A_82] : memref<20x128xi32, #tpu.memory_space<vmem>> -> memref<1x128xi32, #tpu.memory_space<vmem>>
    %dma_start3A_84 = tpu.memref_squeeze %dma_start3A_83 : memref<1x128xi32, #tpu.memory_space<vmem>> -> memref<128xi32, #tpu.memory_space<vmem>>
    %dma_start3A_85 = arith.constant 0 : i32
    %dma_start3A_86 = arith.constant 0 : i32
    %dma_start3A_87 = tpu.memref_slice %arg2[%dma_start3A_85, %dma_start3A_86] : memref<10000x128xf32, #tpu.memory_space<hbm>> -> memref<10000x128xf32, #tpu.memory_space<hbm>>
    tpu.enqueue_indirect_dma source(%dma_start3A_87 : memref<10000x128xf32, #tpu.memory_space<hbm>>) target(%arg6 : memref<128x128xf32, #tpu.memory_space<vmem>>) offsets(%dma_start3A_84 : memref<128xi32, #tpu.memory_space<vmem>>) semaphore(%arg7 : memref<!tpu.dma_semaphore, #tpu.memory_space<semaphore_mem>>)
    %dma_wait3A_88 = arith.constant 5 : i32
    %dma_wait3A_89 = arith.constant 0 : i32
    %dma_wait3A_90 = tpu.memref_slice %arg5[%dma_wait3A_88, %dma_wait3A_89] : memref<20x128xi32, #tpu.memory_space<vmem>> -> memref<1x128xi32, #tpu.memory_space<vmem>>
    %dma_wait3A_91 = tpu.memref_squeeze %dma_wait3A_90 : memref<1x128xi32, #tpu.memory_space<vmem>> -> memref<128xi32, #tpu.memory_space<vmem>>
    %dma_wait3A_92 = arith.constant 0 : i32
    %dma_wait3A_93 = arith.constant 0 : i32
    %dma_wait3A_94 = tpu.memref_slice %arg2[%dma_wait3A_92, %dma_wait3A_93] : memref<10000x128xf32, #tpu.memory_space<hbm>> -> memref<10000x128xf32, #tpu.memory_space<hbm>>
    tpu.wait_indirect_dma semaphore(%arg7 : memref<!tpu.dma_semaphore, #tpu.memory_space<semaphore_mem>>) src(%dma_wait3A_94 : memref<10000x128xf32, #tpu.memory_space<hbm>>) dst(%arg6 : memref<128x128xf32, #tpu.memory_space<vmem>>)
    %add3A_95 = arith.constant 640 : i32
    %add3A_96 = arith.addi %mul3A_2, %add3A_95 : i32
    "tpu.region"() ({
      %run_scoped3A = tpu.sem_alloc : memref<!tpu.dma_semaphore, #tpu.memory_space<semaphore_mem>>
      %dma_start3A_321 = arith.constant 0 : i32
      %dma_start3A_322 = tpu.memref_slice %arg4[%add3A_96, %dma_start3A_321] : memref<81920x128xf32, #tpu.memory_space<hbm>> -> memref<128x128xf32, #tpu.memory_space<hbm>>
      %dma_start3A_323 = arith.constant 0 : i32
      %dma_start3A_324 = tpu.memref_slice %arg4[%add3A_96, %dma_start3A_323] : memref<81920x128xf32, #tpu.memory_space<hbm>> -> memref<128x128xf32, #tpu.memory_space<hbm>>
      tpu.enqueue_dma source(%arg6 : memref<128x128xf32, #tpu.memory_space<vmem>>) target(%dma_start3A_324 : memref<128x128xf32, #tpu.memory_space<hbm>>) target_semaphore(%run_scoped3A : memref<!tpu.dma_semaphore, #tpu.memory_space<semaphore_mem>>)
      %dma_wait3A_325 = arith.constant 0 : i32
      %dma_wait3A_326 = tpu.memref_slice %arg4[%add3A_96, %dma_wait3A_325] : memref<81920x128xf32, #tpu.memory_space<hbm>> -> memref<128x128xf32, #tpu.memory_space<hbm>>
      %dma_wait3A_327 = arith.constant 0 : i32
      %dma_wait3A_328 = tpu.memref_slice %arg4[%add3A_96, %dma_wait3A_327] : memref<81920x128xf32, #tpu.memory_space<hbm>> -> memref<128x128xf32, #tpu.memory_space<hbm>>
      tpu.wait_dma2 semaphore(%run_scoped3A : memref<!tpu.dma_semaphore, #tpu.memory_space<semaphore_mem>>) src(%arg6 : memref<128x128xf32, #tpu.memory_space<vmem>>) dst(%dma_wait3A_328 : memref<128x128xf32, #tpu.memory_space<hbm>>)
      tpu.yield
    }) : () -> ()
    %dma_start3A_97 = arith.constant 6 : i32
    %dma_start3A_98 = arith.constant 0 : i32
    %dma_start3A_99 = tpu.memref_slice %arg5[%dma_start3A_97, %dma_start3A_98] : memref<20x128xi32, #tpu.memory_space<vmem>> -> memref<1x128xi32, #tpu.memory_space<vmem>>
    %dma_start3A_100 = tpu.memref_squeeze %dma_start3A_99 : memref<1x128xi32, #tpu.memory_space<vmem>> -> memref<128xi32, #tpu.memory_space<vmem>>
    %dma_start3A_101 = arith.constant 0 : i32
    %dma_start3A_102 = arith.constant 0 : i32
    %dma_start3A_103 = tpu.memref_slice %arg2[%dma_start3A_101, %dma_start3A_102] : memref<10000x128xf32, #tpu.memory_space<hbm>> -> memref<10000x128xf32, #tpu.memory_space<hbm>>
    tpu.enqueue_indirect_dma source(%dma_start3A_103 : memref<10000x128xf32, #tpu.memory_space<hbm>>) target(%arg6 : memref<128x128xf32, #tpu.memory_space<vmem>>) offsets(%dma_start3A_100 : memref<128xi32, #tpu.memory_space<vmem>>) semaphore(%arg7 : memref<!tpu.dma_semaphore, #tpu.memory_space<semaphore_mem>>)
    %dma_wait3A_104 = arith.constant 6 : i32
    %dma_wait3A_105 = arith.constant 0 : i32
    %dma_wait3A_106 = tpu.memref_slice %arg5[%dma_wait3A_104, %dma_wait3A_105] : memref<20x128xi32, #tpu.memory_space<vmem>> -> memref<1x128xi32, #tpu.memory_space<vmem>>
    %dma_wait3A_107 = tpu.memref_squeeze %dma_wait3A_106 : memref<1x128xi32, #tpu.memory_space<vmem>> -> memref<128xi32, #tpu.memory_space<vmem>>
    %dma_wait3A_108 = arith.constant 0 : i32
    %dma_wait3A_109 = arith.constant 0 : i32
    %dma_wait3A_110 = tpu.memref_slice %arg2[%dma_wait3A_108, %dma_wait3A_109] : memref<10000x128xf32, #tpu.memory_space<hbm>> -> memref<10000x128xf32, #tpu.memory_space<hbm>>
    tpu.wait_indirect_dma semaphore(%arg7 : memref<!tpu.dma_semaphore, #tpu.memory_space<semaphore_mem>>) src(%dma_wait3A_110 : memref<10000x128xf32, #tpu.memory_space<hbm>>) dst(%arg6 : memref<128x128xf32, #tpu.memory_space<vmem>>)
    %add3A_111 = arith.constant 768 : i32
    %add3A_112 = arith.addi %mul3A_2, %add3A_111 : i32
    "tpu.region"() ({
      %run_scoped3A = tpu.sem_alloc : memref<!tpu.dma_semaphore, #tpu.memory_space<semaphore_mem>>
      %dma_start3A_321 = arith.constant 0 : i32
      %dma_start3A_322 = tpu.memref_slice %arg4[%add3A_112, %dma_start3A_321] : memref<81920x128xf32, #tpu.memory_space<hbm>> -> memref<128x128xf32, #tpu.memory_space<hbm>>
      %dma_start3A_323 = arith.constant 0 : i32
      %dma_start3A_324 = tpu.memref_slice %arg4[%add3A_112, %dma_start3A_323] : memref<81920x128xf32, #tpu.memory_space<hbm>> -> memref<128x128xf32, #tpu.memory_space<hbm>>
      tpu.enqueue_dma source(%arg6 : memref<128x128xf32, #tpu.memory_space<vmem>>) target(%dma_start3A_324 : memref<128x128xf32, #tpu.memory_space<hbm>>) target_semaphore(%run_scoped3A : memref<!tpu.dma_semaphore, #tpu.memory_space<semaphore_mem>>)
      %dma_wait3A_325 = arith.constant 0 : i32
      %dma_wait3A_326 = tpu.memref_slice %arg4[%add3A_112, %dma_wait3A_325] : memref<81920x128xf32, #tpu.memory_space<hbm>> -> memref<128x128xf32, #tpu.memory_space<hbm>>
      %dma_wait3A_327 = arith.constant 0 : i32
      %dma_wait3A_328 = tpu.memref_slice %arg4[%add3A_112, %dma_wait3A_327] : memref<81920x128xf32, #tpu.memory_space<hbm>> -> memref<128x128xf32, #tpu.memory_space<hbm>>
      tpu.wait_dma2 semaphore(%run_scoped3A : memref<!tpu.dma_semaphore, #tpu.memory_space<semaphore_mem>>) src(%arg6 : memref<128x128xf32, #tpu.memory_space<vmem>>) dst(%dma_wait3A_328 : memref<128x128xf32, #tpu.memory_space<hbm>>)
      tpu.yield
    }) : () -> ()
    %dma_start3A_113 = arith.constant 7 : i32
    %dma_start3A_114 = arith.constant 0 : i32
    %dma_start3A_115 = tpu.memref_slice %arg5[%dma_start3A_113, %dma_start3A_114] : memref<20x128xi32, #tpu.memory_space<vmem>> -> memref<1x128xi32, #tpu.memory_space<vmem>>
    %dma_start3A_116 = tpu.memref_squeeze %dma_start3A_115 : memref<1x128xi32, #tpu.memory_space<vmem>> -> memref<128xi32, #tpu.memory_space<vmem>>
    %dma_start3A_117 = arith.constant 0 : i32
    %dma_start3A_118 = arith.constant 0 : i32
    %dma_start3A_119 = tpu.memref_slice %arg2[%dma_start3A_117, %dma_start3A_118] : memref<10000x128xf32, #tpu.memory_space<hbm>> -> memref<10000x128xf32, #tpu.memory_space<hbm>>
    tpu.enqueue_indirect_dma source(%dma_start3A_119 : memref<10000x128xf32, #tpu.memory_space<hbm>>) target(%arg6 : memref<128x128xf32, #tpu.memory_space<vmem>>) offsets(%dma_start3A_116 : memref<128xi32, #tpu.memory_space<vmem>>) semaphore(%arg7 : memref<!tpu.dma_semaphore, #tpu.memory_space<semaphore_mem>>)
    %dma_wait3A_120 = arith.constant 7 : i32
    %dma_wait3A_121 = arith.constant 0 : i32
    %dma_wait3A_122 = tpu.memref_slice %arg5[%dma_wait3A_120, %dma_wait3A_121] : memref<20x128xi32, #tpu.memory_space<vmem>> -> memref<1x128xi32, #tpu.memory_space<vmem>>
    %dma_wait3A_123 = tpu.memref_squeeze %dma_wait3A_122 : memref<1x128xi32, #tpu.memory_space<vmem>> -> memref<128xi32, #tpu.memory_space<vmem>>
    %dma_wait3A_124 = arith.constant 0 : i32
    %dma_wait3A_125 = arith.constant 0 : i32
    %dma_wait3A_126 = tpu.memref_slice %arg2[%dma_wait3A_124, %dma_wait3A_125] : memref<10000x128xf32, #tpu.memory_space<hbm>> -> memref<10000x128xf32, #tpu.memory_space<hbm>>
    tpu.wait_indirect_dma semaphore(%arg7 : memref<!tpu.dma_semaphore, #tpu.memory_space<semaphore_mem>>) src(%dma_wait3A_126 : memref<10000x128xf32, #tpu.memory_space<hbm>>) dst(%arg6 : memref<128x128xf32, #tpu.memory_space<vmem>>)
    %add3A_127 = arith.constant 896 : i32
    %add3A_128 = arith.addi %mul3A_2, %add3A_127 : i32
    "tpu.region"() ({
      %run_scoped3A = tpu.sem_alloc : memref<!tpu.dma_semaphore, #tpu.memory_space<semaphore_mem>>
      %dma_start3A_321 = arith.constant 0 : i32
      %dma_start3A_322 = tpu.memref_slice %arg4[%add3A_128, %dma_start3A_321] : memref<81920x128xf32, #tpu.memory_space<hbm>> -> memref<128x128xf32, #tpu.memory_space<hbm>>
      %dma_start3A_323 = arith.constant 0 : i32
      %dma_start3A_324 = tpu.memref_slice %arg4[%add3A_128, %dma_start3A_323] : memref<81920x128xf32, #tpu.memory_space<hbm>> -> memref<128x128xf32, #tpu.memory_space<hbm>>
      tpu.enqueue_dma source(%arg6 : memref<128x128xf32, #tpu.memory_space<vmem>>) target(%dma_start3A_324 : memref<128x128xf32, #tpu.memory_space<hbm>>) target_semaphore(%run_scoped3A : memref<!tpu.dma_semaphore, #tpu.memory_space<semaphore_mem>>)
      %dma_wait3A_325 = arith.constant 0 : i32
      %dma_wait3A_326 = tpu.memref_slice %arg4[%add3A_128, %dma_wait3A_325] : memref<81920x128xf32, #tpu.memory_space<hbm>> -> memref<128x128xf32, #tpu.memory_space<hbm>>
      %dma_wait3A_327 = arith.constant 0 : i32
      %dma_wait3A_328 = tpu.memref_slice %arg4[%add3A_128, %dma_wait3A_327] : memref<81920x128xf32, #tpu.memory_space<hbm>> -> memref<128x128xf32, #tpu.memory_space<hbm>>
      tpu.wait_dma2 semaphore(%run_scoped3A : memref<!tpu.dma_semaphore, #tpu.memory_space<semaphore_mem>>) src(%arg6 : memref<128x128xf32, #tpu.memory_space<vmem>>) dst(%dma_wait3A_328 : memref<128x128xf32, #tpu.memory_space<hbm>>)
      tpu.yield
    }) : () -> ()
    %dma_start3A_129 = arith.constant 8 : i32
    %dma_start3A_130 = arith.constant 0 : i32
    %dma_start3A_131 = tpu.memref_slice %arg5[%dma_start3A_129, %dma_start3A_130] : memref<20x128xi32, #tpu.memory_space<vmem>> -> memref<1x128xi32, #tpu.memory_space<vmem>>
    %dma_start3A_132 = tpu.memref_squeeze %dma_start3A_131 : memref<1x128xi32, #tpu.memory_space<vmem>> -> memref<128xi32, #tpu.memory_space<vmem>>
    %dma_start3A_133 = arith.constant 0 : i32
    %dma_start3A_134 = arith.constant 0 : i32
    %dma_start3A_135 = tpu.memref_slice %arg2[%dma_start3A_133, %dma_start3A_134] : memref<10000x128xf32, #tpu.memory_space<hbm>> -> memref<10000x128xf32, #tpu.memory_space<hbm>>
    tpu.enqueue_indirect_dma source(%dma_start3A_135 : memref<10000x128xf32, #tpu.memory_space<hbm>>) target(%arg6 : memref<128x128xf32, #tpu.memory_space<vmem>>) offsets(%dma_start3A_132 : memref<128xi32, #tpu.memory_space<vmem>>) semaphore(%arg7 : memref<!tpu.dma_semaphore, #tpu.memory_space<semaphore_mem>>)
    %dma_wait3A_136 = arith.constant 8 : i32
    %dma_wait3A_137 = arith.constant 0 : i32
    %dma_wait3A_138 = tpu.memref_slice %arg5[%dma_wait3A_136, %dma_wait3A_137] : memref<20x128xi32, #tpu.memory_space<vmem>> -> memref<1x128xi32, #tpu.memory_space<vmem>>
    %dma_wait3A_139 = tpu.memref_squeeze %dma_wait3A_138 : memref<1x128xi32, #tpu.memory_space<vmem>> -> memref<128xi32, #tpu.memory_space<vmem>>
    %dma_wait3A_140 = arith.constant 0 : i32
    %dma_wait3A_141 = arith.constant 0 : i32
    %dma_wait3A_142 = tpu.memref_slice %arg2[%dma_wait3A_140, %dma_wait3A_141] : memref<10000x128xf32, #tpu.memory_space<hbm>> -> memref<10000x128xf32, #tpu.memory_space<hbm>>
    tpu.wait_indirect_dma semaphore(%arg7 : memref<!tpu.dma_semaphore, #tpu.memory_space<semaphore_mem>>) src(%dma_wait3A_142 : memref<10000x128xf32, #tpu.memory_space<hbm>>) dst(%arg6 : memref<128x128xf32, #tpu.memory_space<vmem>>)
    %add3A_143 = arith.constant 1024 : i32
    %add3A_144 = arith.addi %mul3A_2, %add3A_143 : i32
    "tpu.region"() ({
      %run_scoped3A = tpu.sem_alloc : memref<!tpu.dma_semaphore, #tpu.memory_space<semaphore_mem>>
      %dma_start3A_321 = arith.constant 0 : i32
      %dma_start3A_322 = tpu.memref_slice %arg4[%add3A_144, %dma_start3A_321] : memref<81920x128xf32, #tpu.memory_space<hbm>> -> memref<128x128xf32, #tpu.memory_space<hbm>>
      %dma_start3A_323 = arith.constant 0 : i32
      %dma_start3A_324 = tpu.memref_slice %arg4[%add3A_144, %dma_start3A_323] : memref<81920x128xf32, #tpu.memory_space<hbm>> -> memref<128x128xf32, #tpu.memory_space<hbm>>
      tpu.enqueue_dma source(%arg6 : memref<128x128xf32, #tpu.memory_space<vmem>>) target(%dma_start3A_324 : memref<128x128xf32, #tpu.memory_space<hbm>>) target_semaphore(%run_scoped3A : memref<!tpu.dma_semaphore, #tpu.memory_space<semaphore_mem>>)
      %dma_wait3A_325 = arith.constant 0 : i32
      %dma_wait3A_326 = tpu.memref_slice %arg4[%add3A_144, %dma_wait3A_325] : memref<81920x128xf32, #tpu.memory_space<hbm>> -> memref<128x128xf32, #tpu.memory_space<hbm>>
      %dma_wait3A_327 = arith.constant 0 : i32
      %dma_wait3A_328 = tpu.memref_slice %arg4[%add3A_144, %dma_wait3A_327] : memref<81920x128xf32, #tpu.memory_space<hbm>> -> memref<128x128xf32, #tpu.memory_space<hbm>>
      tpu.wait_dma2 semaphore(%run_scoped3A : memref<!tpu.dma_semaphore, #tpu.memory_space<semaphore_mem>>) src(%arg6 : memref<128x128xf32, #tpu.memory_space<vmem>>) dst(%dma_wait3A_328 : memref<128x128xf32, #tpu.memory_space<hbm>>)
      tpu.yield
    }) : () -> ()
    %dma_start3A_145 = arith.constant 9 : i32
    %dma_start3A_146 = arith.constant 0 : i32
    %dma_start3A_147 = tpu.memref_slice %arg5[%dma_start3A_145, %dma_start3A_146] : memref<20x128xi32, #tpu.memory_space<vmem>> -> memref<1x128xi32, #tpu.memory_space<vmem>>
    %dma_start3A_148 = tpu.memref_squeeze %dma_start3A_147 : memref<1x128xi32, #tpu.memory_space<vmem>> -> memref<128xi32, #tpu.memory_space<vmem>>
    %dma_start3A_149 = arith.constant 0 : i32
    %dma_start3A_150 = arith.constant 0 : i32
    %dma_start3A_151 = tpu.memref_slice %arg2[%dma_start3A_149, %dma_start3A_150] : memref<10000x128xf32, #tpu.memory_space<hbm>> -> memref<10000x128xf32, #tpu.memory_space<hbm>>
    tpu.enqueue_indirect_dma source(%dma_start3A_151 : memref<10000x128xf32, #tpu.memory_space<hbm>>) target(%arg6 : memref<128x128xf32, #tpu.memory_space<vmem>>) offsets(%dma_start3A_148 : memref<128xi32, #tpu.memory_space<vmem>>) semaphore(%arg7 : memref<!tpu.dma_semaphore, #tpu.memory_space<semaphore_mem>>)
    %dma_wait3A_152 = arith.constant 9 : i32
    %dma_wait3A_153 = arith.constant 0 : i32
    %dma_wait3A_154 = tpu.memref_slice %arg5[%dma_wait3A_152, %dma_wait3A_153] : memref<20x128xi32, #tpu.memory_space<vmem>> -> memref<1x128xi32, #tpu.memory_space<vmem>>
    %dma_wait3A_155 = tpu.memref_squeeze %dma_wait3A_154 : memref<1x128xi32, #tpu.memory_space<vmem>> -> memref<128xi32, #tpu.memory_space<vmem>>
    %dma_wait3A_156 = arith.constant 0 : i32
    %dma_wait3A_157 = arith.constant 0 : i32
    %dma_wait3A_158 = tpu.memref_slice %arg2[%dma_wait3A_156, %dma_wait3A_157] : memref<10000x128xf32, #tpu.memory_space<hbm>> -> memref<10000x128xf32, #tpu.memory_space<hbm>>
    tpu.wait_indirect_dma semaphore(%arg7 : memref<!tpu.dma_semaphore, #tpu.memory_space<semaphore_mem>>) src(%dma_wait3A_158 : memref<10000x128xf32, #tpu.memory_space<hbm>>) dst(%arg6 : memref<128x128xf32, #tpu.memory_space<vmem>>)
    %add3A_159 = arith.constant 1152 : i32
    %add3A_160 = arith.addi %mul3A_2, %add3A_159 : i32
    "tpu.region"() ({
      %run_scoped3A = tpu.sem_alloc : memref<!tpu.dma_semaphore, #tpu.memory_space<semaphore_mem>>
      %dma_start3A_321 = arith.constant 0 : i32
      %dma_start3A_322 = tpu.memref_slice %arg4[%add3A_160, %dma_start3A_321] : memref<81920x128xf32, #tpu.memory_space<hbm>> -> memref<128x128xf32, #tpu.memory_space<hbm>>
      %dma_start3A_323 = arith.constant 0 : i32
      %dma_start3A_324 = tpu.memref_slice %arg4[%add3A_160, %dma_start3A_323] : memref<81920x128xf32, #tpu.memory_space<hbm>> -> memref<128x128xf32, #tpu.memory_space<hbm>>
      tpu.enqueue_dma source(%arg6 : memref<128x128xf32, #tpu.memory_space<vmem>>) target(%dma_start3A_324 : memref<128x128xf32, #tpu.memory_space<hbm>>) target_semaphore(%run_scoped3A : memref<!tpu.dma_semaphore, #tpu.memory_space<semaphore_mem>>)
      %dma_wait3A_325 = arith.constant 0 : i32
      %dma_wait3A_326 = tpu.memref_slice %arg4[%add3A_160, %dma_wait3A_325] : memref<81920x128xf32, #tpu.memory_space<hbm>> -> memref<128x128xf32, #tpu.memory_space<hbm>>
      %dma_wait3A_327 = arith.constant 0 : i32
      %dma_wait3A_328 = tpu.memref_slice %arg4[%add3A_160, %dma_wait3A_327] : memref<81920x128xf32, #tpu.memory_space<hbm>> -> memref<128x128xf32, #tpu.memory_space<hbm>>
      tpu.wait_dma2 semaphore(%run_scoped3A : memref<!tpu.dma_semaphore, #tpu.memory_space<semaphore_mem>>) src(%arg6 : memref<128x128xf32, #tpu.memory_space<vmem>>) dst(%dma_wait3A_328 : memref<128x128xf32, #tpu.memory_space<hbm>>)
      tpu.yield
    }) : () -> ()
    %dma_start3A_161 = arith.constant 10 : i32
    %dma_start3A_162 = arith.constant 0 : i32
    %dma_start3A_163 = tpu.memref_slice %arg5[%dma_start3A_161, %dma_start3A_162] : memref<20x128xi32, #tpu.memory_space<vmem>> -> memref<1x128xi32, #tpu.memory_space<vmem>>
    %dma_start3A_164 = tpu.memref_squeeze %dma_start3A_163 : memref<1x128xi32, #tpu.memory_space<vmem>> -> memref<128xi32, #tpu.memory_space<vmem>>
    %dma_start3A_165 = arith.constant 0 : i32
    %dma_start3A_166 = arith.constant 0 : i32
    %dma_start3A_167 = tpu.memref_slice %arg2[%dma_start3A_165, %dma_start3A_166] : memref<10000x128xf32, #tpu.memory_space<hbm>> -> memref<10000x128xf32, #tpu.memory_space<hbm>>
    tpu.enqueue_indirect_dma source(%dma_start3A_167 : memref<10000x128xf32, #tpu.memory_space<hbm>>) target(%arg6 : memref<128x128xf32, #tpu.memory_space<vmem>>) offsets(%dma_start3A_164 : memref<128xi32, #tpu.memory_space<vmem>>) semaphore(%arg7 : memref<!tpu.dma_semaphore, #tpu.memory_space<semaphore_mem>>)
    %dma_wait3A_168 = arith.constant 10 : i32
    %dma_wait3A_169 = arith.constant 0 : i32
    %dma_wait3A_170 = tpu.memref_slice %arg5[%dma_wait3A_168, %dma_wait3A_169] : memref<20x128xi32, #tpu.memory_space<vmem>> -> memref<1x128xi32, #tpu.memory_space<vmem>>
    %dma_wait3A_171 = tpu.memref_squeeze %dma_wait3A_170 : memref<1x128xi32, #tpu.memory_space<vmem>> -> memref<128xi32, #tpu.memory_space<vmem>>
    %dma_wait3A_172 = arith.constant 0 : i32
    %dma_wait3A_173 = arith.constant 0 : i32
    %dma_wait3A_174 = tpu.memref_slice %arg2[%dma_wait3A_172, %dma_wait3A_173] : memref<10000x128xf32, #tpu.memory_space<hbm>> -> memref<10000x128xf32, #tpu.memory_space<hbm>>
    tpu.wait_indirect_dma semaphore(%arg7 : memref<!tpu.dma_semaphore, #tpu.memory_space<semaphore_mem>>) src(%dma_wait3A_174 : memref<10000x128xf32, #tpu.memory_space<hbm>>) dst(%arg6 : memref<128x128xf32, #tpu.memory_space<vmem>>)
    %add3A_175 = arith.constant 1280 : i32
    %add3A_176 = arith.addi %mul3A_2, %add3A_175 : i32
    "tpu.region"() ({
      %run_scoped3A = tpu.sem_alloc : memref<!tpu.dma_semaphore, #tpu.memory_space<semaphore_mem>>
      %dma_start3A_321 = arith.constant 0 : i32
      %dma_start3A_322 = tpu.memref_slice %arg4[%add3A_176, %dma_start3A_321] : memref<81920x128xf32, #tpu.memory_space<hbm>> -> memref<128x128xf32, #tpu.memory_space<hbm>>
      %dma_start3A_323 = arith.constant 0 : i32
      %dma_start3A_324 = tpu.memref_slice %arg4[%add3A_176, %dma_start3A_323] : memref<81920x128xf32, #tpu.memory_space<hbm>> -> memref<128x128xf32, #tpu.memory_space<hbm>>
      tpu.enqueue_dma source(%arg6 : memref<128x128xf32, #tpu.memory_space<vmem>>) target(%dma_start3A_324 : memref<128x128xf32, #tpu.memory_space<hbm>>) target_semaphore(%run_scoped3A : memref<!tpu.dma_semaphore, #tpu.memory_space<semaphore_mem>>)
      %dma_wait3A_325 = arith.constant 0 : i32
      %dma_wait3A_326 = tpu.memref_slice %arg4[%add3A_176, %dma_wait3A_325] : memref<81920x128xf32, #tpu.memory_space<hbm>> -> memref<128x128xf32, #tpu.memory_space<hbm>>
      %dma_wait3A_327 = arith.constant 0 : i32
      %dma_wait3A_328 = tpu.memref_slice %arg4[%add3A_176, %dma_wait3A_327] : memref<81920x128xf32, #tpu.memory_space<hbm>> -> memref<128x128xf32, #tpu.memory_space<hbm>>
      tpu.wait_dma2 semaphore(%run_scoped3A : memref<!tpu.dma_semaphore, #tpu.memory_space<semaphore_mem>>) src(%arg6 : memref<128x128xf32, #tpu.memory_space<vmem>>) dst(%dma_wait3A_328 : memref<128x128xf32, #tpu.memory_space<hbm>>)
      tpu.yield
    }) : () -> ()
    %dma_start3A_177 = arith.constant 11 : i32
    %dma_start3A_178 = arith.constant 0 : i32
    %dma_start3A_179 = tpu.memref_slice %arg5[%dma_start3A_177, %dma_start3A_178] : memref<20x128xi32, #tpu.memory_space<vmem>> -> memref<1x128xi32, #tpu.memory_space<vmem>>
    %dma_start3A_180 = tpu.memref_squeeze %dma_start3A_179 : memref<1x128xi32, #tpu.memory_space<vmem>> -> memref<128xi32, #tpu.memory_space<vmem>>
    %dma_start3A_181 = arith.constant 0 : i32
    %dma_start3A_182 = arith.constant 0 : i32
    %dma_start3A_183 = tpu.memref_slice %arg2[%dma_start3A_181, %dma_start3A_182] : memref<10000x128xf32, #tpu.memory_space<hbm>> -> memref<10000x128xf32, #tpu.memory_space<hbm>>
    tpu.enqueue_indirect_dma source(%dma_start3A_183 : memref<10000x128xf32, #tpu.memory_space<hbm>>) target(%arg6 : memref<128x128xf32, #tpu.memory_space<vmem>>) offsets(%dma_start3A_180 : memref<128xi32, #tpu.memory_space<vmem>>) semaphore(%arg7 : memref<!tpu.dma_semaphore, #tpu.memory_space<semaphore_mem>>)
    %dma_wait3A_184 = arith.constant 11 : i32
    %dma_wait3A_185 = arith.constant 0 : i32
    %dma_wait3A_186 = tpu.memref_slice %arg5[%dma_wait3A_184, %dma_wait3A_185] : memref<20x128xi32, #tpu.memory_space<vmem>> -> memref<1x128xi32, #tpu.memory_space<vmem>>
    %dma_wait3A_187 = tpu.memref_squeeze %dma_wait3A_186 : memref<1x128xi32, #tpu.memory_space<vmem>> -> memref<128xi32, #tpu.memory_space<vmem>>
    %dma_wait3A_188 = arith.constant 0 : i32
    %dma_wait3A_189 = arith.constant 0 : i32
    %dma_wait3A_190 = tpu.memref_slice %arg2[%dma_wait3A_188, %dma_wait3A_189] : memref<10000x128xf32, #tpu.memory_space<hbm>> -> memref<10000x128xf32, #tpu.memory_space<hbm>>
    tpu.wait_indirect_dma semaphore(%arg7 : memref<!tpu.dma_semaphore, #tpu.memory_space<semaphore_mem>>) src(%dma_wait3A_190 : memref<10000x128xf32, #tpu.memory_space<hbm>>) dst(%arg6 : memref<128x128xf32, #tpu.memory_space<vmem>>)
    %add3A_191 = arith.constant 1408 : i32
    %add3A_192 = arith.addi %mul3A_2, %add3A_191 : i32
    "tpu.region"() ({
      %run_scoped3A = tpu.sem_alloc : memref<!tpu.dma_semaphore, #tpu.memory_space<semaphore_mem>>
      %dma_start3A_321 = arith.constant 0 : i32
      %dma_start3A_322 = tpu.memref_slice %arg4[%add3A_192, %dma_start3A_321] : memref<81920x128xf32, #tpu.memory_space<hbm>> -> memref<128x128xf32, #tpu.memory_space<hbm>>
      %dma_start3A_323 = arith.constant 0 : i32
      %dma_start3A_324 = tpu.memref_slice %arg4[%add3A_192, %dma_start3A_323] : memref<81920x128xf32, #tpu.memory_space<hbm>> -> memref<128x128xf32, #tpu.memory_space<hbm>>
      tpu.enqueue_dma source(%arg6 : memref<128x128xf32, #tpu.memory_space<vmem>>) target(%dma_start3A_324 : memref<128x128xf32, #tpu.memory_space<hbm>>) target_semaphore(%run_scoped3A : memref<!tpu.dma_semaphore, #tpu.memory_space<semaphore_mem>>)
      %dma_wait3A_325 = arith.constant 0 : i32
      %dma_wait3A_326 = tpu.memref_slice %arg4[%add3A_192, %dma_wait3A_325] : memref<81920x128xf32, #tpu.memory_space<hbm>> -> memref<128x128xf32, #tpu.memory_space<hbm>>
      %dma_wait3A_327 = arith.constant 0 : i32
      %dma_wait3A_328 = tpu.memref_slice %arg4[%add3A_192, %dma_wait3A_327] : memref<81920x128xf32, #tpu.memory_space<hbm>> -> memref<128x128xf32, #tpu.memory_space<hbm>>
      tpu.wait_dma2 semaphore(%run_scoped3A : memref<!tpu.dma_semaphore, #tpu.memory_space<semaphore_mem>>) src(%arg6 : memref<128x128xf32, #tpu.memory_space<vmem>>) dst(%dma_wait3A_328 : memref<128x128xf32, #tpu.memory_space<hbm>>)
      tpu.yield
    }) : () -> ()
    %dma_start3A_193 = arith.constant 12 : i32
    %dma_start3A_194 = arith.constant 0 : i32
    %dma_start3A_195 = tpu.memref_slice %arg5[%dma_start3A_193, %dma_start3A_194] : memref<20x128xi32, #tpu.memory_space<vmem>> -> memref<1x128xi32, #tpu.memory_space<vmem>>
    %dma_start3A_196 = tpu.memref_squeeze %dma_start3A_195 : memref<1x128xi32, #tpu.memory_space<vmem>> -> memref<128xi32, #tpu.memory_space<vmem>>
    %dma_start3A_197 = arith.constant 0 : i32
    %dma_start3A_198 = arith.constant 0 : i32
    %dma_start3A_199 = tpu.memref_slice %arg2[%dma_start3A_197, %dma_start3A_198] : memref<10000x128xf32, #tpu.memory_space<hbm>> -> memref<10000x128xf32, #tpu.memory_space<hbm>>
    tpu.enqueue_indirect_dma source(%dma_start3A_199 : memref<10000x128xf32, #tpu.memory_space<hbm>>) target(%arg6 : memref<128x128xf32, #tpu.memory_space<vmem>>) offsets(%dma_start3A_196 : memref<128xi32, #tpu.memory_space<vmem>>) semaphore(%arg7 : memref<!tpu.dma_semaphore, #tpu.memory_space<semaphore_mem>>)
    %dma_wait3A_200 = arith.constant 12 : i32
    %dma_wait3A_201 = arith.constant 0 : i32
    %dma_wait3A_202 = tpu.memref_slice %arg5[%dma_wait3A_200, %dma_wait3A_201] : memref<20x128xi32, #tpu.memory_space<vmem>> -> memref<1x128xi32, #tpu.memory_space<vmem>>
    %dma_wait3A_203 = tpu.memref_squeeze %dma_wait3A_202 : memref<1x128xi32, #tpu.memory_space<vmem>> -> memref<128xi32, #tpu.memory_space<vmem>>
    %dma_wait3A_204 = arith.constant 0 : i32
    %dma_wait3A_205 = arith.constant 0 : i32
    %dma_wait3A_206 = tpu.memref_slice %arg2[%dma_wait3A_204, %dma_wait3A_205] : memref<10000x128xf32, #tpu.memory_space<hbm>> -> memref<10000x128xf32, #tpu.memory_space<hbm>>
    tpu.wait_indirect_dma semaphore(%arg7 : memref<!tpu.dma_semaphore, #tpu.memory_space<semaphore_mem>>) src(%dma_wait3A_206 : memref<10000x128xf32, #tpu.memory_space<hbm>>) dst(%arg6 : memref<128x128xf32, #tpu.memory_space<vmem>>)
    %add3A_207 = arith.constant 1536 : i32
    %add3A_208 = arith.addi %mul3A_2, %add3A_207 : i32
    "tpu.region"() ({
      %run_scoped3A = tpu.sem_alloc : memref<!tpu.dma_semaphore, #tpu.memory_space<semaphore_mem>>
      %dma_start3A_321 = arith.constant 0 : i32
      %dma_start3A_322 = tpu.memref_slice %arg4[%add3A_208, %dma_start3A_321] : memref<81920x128xf32, #tpu.memory_space<hbm>> -> memref<128x128xf32, #tpu.memory_space<hbm>>
      %dma_start3A_323 = arith.constant 0 : i32
      %dma_start3A_324 = tpu.memref_slice %arg4[%add3A_208, %dma_start3A_323] : memref<81920x128xf32, #tpu.memory_space<hbm>> -> memref<128x128xf32, #tpu.memory_space<hbm>>
      tpu.enqueue_dma source(%arg6 : memref<128x128xf32, #tpu.memory_space<vmem>>) target(%dma_start3A_324 : memref<128x128xf32, #tpu.memory_space<hbm>>) target_semaphore(%run_scoped3A : memref<!tpu.dma_semaphore, #tpu.memory_space<semaphore_mem>>)
      %dma_wait3A_325 = arith.constant 0 : i32
      %dma_wait3A_326 = tpu.memref_slice %arg4[%add3A_208, %dma_wait3A_325] : memref<81920x128xf32, #tpu.memory_space<hbm>> -> memref<128x128xf32, #tpu.memory_space<hbm>>
      %dma_wait3A_327 = arith.constant 0 : i32
      %dma_wait3A_328 = tpu.memref_slice %arg4[%add3A_208, %dma_wait3A_327] : memref<81920x128xf32, #tpu.memory_space<hbm>> -> memref<128x128xf32, #tpu.memory_space<hbm>>
      tpu.wait_dma2 semaphore(%run_scoped3A : memref<!tpu.dma_semaphore, #tpu.memory_space<semaphore_mem>>) src(%arg6 : memref<128x128xf32, #tpu.memory_space<vmem>>) dst(%dma_wait3A_328 : memref<128x128xf32, #tpu.memory_space<hbm>>)
      tpu.yield
    }) : () -> ()
    %dma_start3A_209 = arith.constant 13 : i32
    %dma_start3A_210 = arith.constant 0 : i32
    %dma_start3A_211 = tpu.memref_slice %arg5[%dma_start3A_209, %dma_start3A_210] : memref<20x128xi32, #tpu.memory_space<vmem>> -> memref<1x128xi32, #tpu.memory_space<vmem>>
    %dma_start3A_212 = tpu.memref_squeeze %dma_start3A_211 : memref<1x128xi32, #tpu.memory_space<vmem>> -> memref<128xi32, #tpu.memory_space<vmem>>
    %dma_start3A_213 = arith.constant 0 : i32
    %dma_start3A_214 = arith.constant 0 : i32
    %dma_start3A_215 = tpu.memref_slice %arg2[%dma_start3A_213, %dma_start3A_214] : memref<10000x128xf32, #tpu.memory_space<hbm>> -> memref<10000x128xf32, #tpu.memory_space<hbm>>
    tpu.enqueue_indirect_dma source(%dma_start3A_215 : memref<10000x128xf32, #tpu.memory_space<hbm>>) target(%arg6 : memref<128x128xf32, #tpu.memory_space<vmem>>) offsets(%dma_start3A_212 : memref<128xi32, #tpu.memory_space<vmem>>) semaphore(%arg7 : memref<!tpu.dma_semaphore, #tpu.memory_space<semaphore_mem>>)
    %dma_wait3A_216 = arith.constant 13 : i32
    %dma_wait3A_217 = arith.constant 0 : i32
    %dma_wait3A_218 = tpu.memref_slice %arg5[%dma_wait3A_216, %dma_wait3A_217] : memref<20x128xi32, #tpu.memory_space<vmem>> -> memref<1x128xi32, #tpu.memory_space<vmem>>
    %dma_wait3A_219 = tpu.memref_squeeze %dma_wait3A_218 : memref<1x128xi32, #tpu.memory_space<vmem>> -> memref<128xi32, #tpu.memory_space<vmem>>
    %dma_wait3A_220 = arith.constant 0 : i32
    %dma_wait3A_221 = arith.constant 0 : i32
    %dma_wait3A_222 = tpu.memref_slice %arg2[%dma_wait3A_220, %dma_wait3A_221] : memref<10000x128xf32, #tpu.memory_space<hbm>> -> memref<10000x128xf32, #tpu.memory_space<hbm>>
    tpu.wait_indirect_dma semaphore(%arg7 : memref<!tpu.dma_semaphore, #tpu.memory_space<semaphore_mem>>) src(%dma_wait3A_222 : memref<10000x128xf32, #tpu.memory_space<hbm>>) dst(%arg6 : memref<128x128xf32, #tpu.memory_space<vmem>>)
    %add3A_223 = arith.constant 1664 : i32
    %add3A_224 = arith.addi %mul3A_2, %add3A_223 : i32
    "tpu.region"() ({
      %run_scoped3A = tpu.sem_alloc : memref<!tpu.dma_semaphore, #tpu.memory_space<semaphore_mem>>
      %dma_start3A_321 = arith.constant 0 : i32
      %dma_start3A_322 = tpu.memref_slice %arg4[%add3A_224, %dma_start3A_321] : memref<81920x128xf32, #tpu.memory_space<hbm>> -> memref<128x128xf32, #tpu.memory_space<hbm>>
      %dma_start3A_323 = arith.constant 0 : i32
      %dma_start3A_324 = tpu.memref_slice %arg4[%add3A_224, %dma_start3A_323] : memref<81920x128xf32, #tpu.memory_space<hbm>> -> memref<128x128xf32, #tpu.memory_space<hbm>>
      tpu.enqueue_dma source(%arg6 : memref<128x128xf32, #tpu.memory_space<vmem>>) target(%dma_start3A_324 : memref<128x128xf32, #tpu.memory_space<hbm>>) target_semaphore(%run_scoped3A : memref<!tpu.dma_semaphore, #tpu.memory_space<semaphore_mem>>)
      %dma_wait3A_325 = arith.constant 0 : i32
      %dma_wait3A_326 = tpu.memref_slice %arg4[%add3A_224, %dma_wait3A_325] : memref<81920x128xf32, #tpu.memory_space<hbm>> -> memref<128x128xf32, #tpu.memory_space<hbm>>
      %dma_wait3A_327 = arith.constant 0 : i32
      %dma_wait3A_328 = tpu.memref_slice %arg4[%add3A_224, %dma_wait3A_327] : memref<81920x128xf32, #tpu.memory_space<hbm>> -> memref<128x128xf32, #tpu.memory_space<hbm>>
      tpu.wait_dma2 semaphore(%run_scoped3A : memref<!tpu.dma_semaphore, #tpu.memory_space<semaphore_mem>>) src(%arg6 : memref<128x128xf32, #tpu.memory_space<vmem>>) dst(%dma_wait3A_328 : memref<128x128xf32, #tpu.memory_space<hbm>>)
      tpu.yield
    }) : () -> ()
    %dma_start3A_225 = arith.constant 14 : i32
    %dma_start3A_226 = arith.constant 0 : i32
    %dma_start3A_227 = tpu.memref_slice %arg5[%dma_start3A_225, %dma_start3A_226] : memref<20x128xi32, #tpu.memory_space<vmem>> -> memref<1x128xi32, #tpu.memory_space<vmem>>
    %dma_start3A_228 = tpu.memref_squeeze %dma_start3A_227 : memref<1x128xi32, #tpu.memory_space<vmem>> -> memref<128xi32, #tpu.memory_space<vmem>>
    %dma_start3A_229 = arith.constant 0 : i32
    %dma_start3A_230 = arith.constant 0 : i32
    %dma_start3A_231 = tpu.memref_slice %arg2[%dma_start3A_229, %dma_start3A_230] : memref<10000x128xf32, #tpu.memory_space<hbm>> -> memref<10000x128xf32, #tpu.memory_space<hbm>>
    tpu.enqueue_indirect_dma source(%dma_start3A_231 : memref<10000x128xf32, #tpu.memory_space<hbm>>) target(%arg6 : memref<128x128xf32, #tpu.memory_space<vmem>>) offsets(%dma_start3A_228 : memref<128xi32, #tpu.memory_space<vmem>>) semaphore(%arg7 : memref<!tpu.dma_semaphore, #tpu.memory_space<semaphore_mem>>)
    %dma_wait3A_232 = arith.constant 14 : i32
    %dma_wait3A_233 = arith.constant 0 : i32
    %dma_wait3A_234 = tpu.memref_slice %arg5[%dma_wait3A_232, %dma_wait3A_233] : memref<20x128xi32, #tpu.memory_space<vmem>> -> memref<1x128xi32, #tpu.memory_space<vmem>>
    %dma_wait3A_235 = tpu.memref_squeeze %dma_wait3A_234 : memref<1x128xi32, #tpu.memory_space<vmem>> -> memref<128xi32, #tpu.memory_space<vmem>>
    %dma_wait3A_236 = arith.constant 0 : i32
    %dma_wait3A_237 = arith.constant 0 : i32
    %dma_wait3A_238 = tpu.memref_slice %arg2[%dma_wait3A_236, %dma_wait3A_237] : memref<10000x128xf32, #tpu.memory_space<hbm>> -> memref<10000x128xf32, #tpu.memory_space<hbm>>
    tpu.wait_indirect_dma semaphore(%arg7 : memref<!tpu.dma_semaphore, #tpu.memory_space<semaphore_mem>>) src(%dma_wait3A_238 : memref<10000x128xf32, #tpu.memory_space<hbm>>) dst(%arg6 : memref<128x128xf32, #tpu.memory_space<vmem>>)
    %add3A_239 = arith.constant 1792 : i32
    %add3A_240 = arith.addi %mul3A_2, %add3A_239 : i32
    "tpu.region"() ({
      %run_scoped3A = tpu.sem_alloc : memref<!tpu.dma_semaphore, #tpu.memory_space<semaphore_mem>>
      %dma_start3A_321 = arith.constant 0 : i32
      %dma_start3A_322 = tpu.memref_slice %arg4[%add3A_240, %dma_start3A_321] : memref<81920x128xf32, #tpu.memory_space<hbm>> -> memref<128x128xf32, #tpu.memory_space<hbm>>
      %dma_start3A_323 = arith.constant 0 : i32
      %dma_start3A_324 = tpu.memref_slice %arg4[%add3A_240, %dma_start3A_323] : memref<81920x128xf32, #tpu.memory_space<hbm>> -> memref<128x128xf32, #tpu.memory_space<hbm>>
      tpu.enqueue_dma source(%arg6 : memref<128x128xf32, #tpu.memory_space<vmem>>) target(%dma_start3A_324 : memref<128x128xf32, #tpu.memory_space<hbm>>) target_semaphore(%run_scoped3A : memref<!tpu.dma_semaphore, #tpu.memory_space<semaphore_mem>>)
      %dma_wait3A_325 = arith.constant 0 : i32
      %dma_wait3A_326 = tpu.memref_slice %arg4[%add3A_240, %dma_wait3A_325] : memref<81920x128xf32, #tpu.memory_space<hbm>> -> memref<128x128xf32, #tpu.memory_space<hbm>>
      %dma_wait3A_327 = arith.constant 0 : i32
      %dma_wait3A_328 = tpu.memref_slice %arg4[%add3A_240, %dma_wait3A_327] : memref<81920x128xf32, #tpu.memory_space<hbm>> -> memref<128x128xf32, #tpu.memory_space<hbm>>
      tpu.wait_dma2 semaphore(%run_scoped3A : memref<!tpu.dma_semaphore, #tpu.memory_space<semaphore_mem>>) src(%arg6 : memref<128x128xf32, #tpu.memory_space<vmem>>) dst(%dma_wait3A_328 : memref<128x128xf32, #tpu.memory_space<hbm>>)
      tpu.yield
    }) : () -> ()
    %dma_start3A_241 = arith.constant 15 : i32
    %dma_start3A_242 = arith.constant 0 : i32
    %dma_start3A_243 = tpu.memref_slice %arg5[%dma_start3A_241, %dma_start3A_242] : memref<20x128xi32, #tpu.memory_space<vmem>> -> memref<1x128xi32, #tpu.memory_space<vmem>>
    %dma_start3A_244 = tpu.memref_squeeze %dma_start3A_243 : memref<1x128xi32, #tpu.memory_space<vmem>> -> memref<128xi32, #tpu.memory_space<vmem>>
    %dma_start3A_245 = arith.constant 0 : i32
    %dma_start3A_246 = arith.constant 0 : i32
    %dma_start3A_247 = tpu.memref_slice %arg2[%dma_start3A_245, %dma_start3A_246] : memref<10000x128xf32, #tpu.memory_space<hbm>> -> memref<10000x128xf32, #tpu.memory_space<hbm>>
    tpu.enqueue_indirect_dma source(%dma_start3A_247 : memref<10000x128xf32, #tpu.memory_space<hbm>>) target(%arg6 : memref<128x128xf32, #tpu.memory_space<vmem>>) offsets(%dma_start3A_244 : memref<128xi32, #tpu.memory_space<vmem>>) semaphore(%arg7 : memref<!tpu.dma_semaphore, #tpu.memory_space<semaphore_mem>>)
    %dma_wait3A_248 = arith.constant 15 : i32
    %dma_wait3A_249 = arith.constant 0 : i32
    %dma_wait3A_250 = tpu.memref_slice %arg5[%dma_wait3A_248, %dma_wait3A_249] : memref<20x128xi32, #tpu.memory_space<vmem>> -> memref<1x128xi32, #tpu.memory_space<vmem>>
    %dma_wait3A_251 = tpu.memref_squeeze %dma_wait3A_250 : memref<1x128xi32, #tpu.memory_space<vmem>> -> memref<128xi32, #tpu.memory_space<vmem>>
    %dma_wait3A_252 = arith.constant 0 : i32
    %dma_wait3A_253 = arith.constant 0 : i32
    %dma_wait3A_254 = tpu.memref_slice %arg2[%dma_wait3A_252, %dma_wait3A_253] : memref<10000x128xf32, #tpu.memory_space<hbm>> -> memref<10000x128xf32, #tpu.memory_space<hbm>>
    tpu.wait_indirect_dma semaphore(%arg7 : memref<!tpu.dma_semaphore, #tpu.memory_space<semaphore_mem>>) src(%dma_wait3A_254 : memref<10000x128xf32, #tpu.memory_space<hbm>>) dst(%arg6 : memref<128x128xf32, #tpu.memory_space<vmem>>)
    %add3A_255 = arith.constant 1920 : i32
    %add3A_256 = arith.addi %mul3A_2, %add3A_255 : i32
    "tpu.region"() ({
      %run_scoped3A = tpu.sem_alloc : memref<!tpu.dma_semaphore, #tpu.memory_space<semaphore_mem>>
      %dma_start3A_321 = arith.constant 0 : i32
      %dma_start3A_322 = tpu.memref_slice %arg4[%add3A_256, %dma_start3A_321] : memref<81920x128xf32, #tpu.memory_space<hbm>> -> memref<128x128xf32, #tpu.memory_space<hbm>>
      %dma_start3A_323 = arith.constant 0 : i32
      %dma_start3A_324 = tpu.memref_slice %arg4[%add3A_256, %dma_start3A_323] : memref<81920x128xf32, #tpu.memory_space<hbm>> -> memref<128x128xf32, #tpu.memory_space<hbm>>
      tpu.enqueue_dma source(%arg6 : memref<128x128xf32, #tpu.memory_space<vmem>>) target(%dma_start3A_324 : memref<128x128xf32, #tpu.memory_space<hbm>>) target_semaphore(%run_scoped3A : memref<!tpu.dma_semaphore, #tpu.memory_space<semaphore_mem>>)
      %dma_wait3A_325 = arith.constant 0 : i32
      %dma_wait3A_326 = tpu.memref_slice %arg4[%add3A_256, %dma_wait3A_325] : memref<81920x128xf32, #tpu.memory_space<hbm>> -> memref<128x128xf32, #tpu.memory_space<hbm>>
      %dma_wait3A_327 = arith.constant 0 : i32
      %dma_wait3A_328 = tpu.memref_slice %arg4[%add3A_256, %dma_wait3A_327] : memref<81920x128xf32, #tpu.memory_space<hbm>> -> memref<128x128xf32, #tpu.memory_space<hbm>>
      tpu.wait_dma2 semaphore(%run_scoped3A : memref<!tpu.dma_semaphore, #tpu.memory_space<semaphore_mem>>) src(%arg6 : memref<128x128xf32, #tpu.memory_space<vmem>>) dst(%dma_wait3A_328 : memref<128x128xf32, #tpu.memory_space<hbm>>)
      tpu.yield
    }) : () -> ()
    %dma_start3A_257 = arith.constant 16 : i32
    %dma_start3A_258 = arith.constant 0 : i32
    %dma_start3A_259 = tpu.memref_slice %arg5[%dma_start3A_257, %dma_start3A_258] : memref<20x128xi32, #tpu.memory_space<vmem>> -> memref<1x128xi32, #tpu.memory_space<vmem>>
    %dma_start3A_260 = tpu.memref_squeeze %dma_start3A_259 : memref<1x128xi32, #tpu.memory_space<vmem>> -> memref<128xi32, #tpu.memory_space<vmem>>
    %dma_start3A_261 = arith.constant 0 : i32
    %dma_start3A_262 = arith.constant 0 : i32
    %dma_start3A_263 = tpu.memref_slice %arg2[%dma_start3A_261, %dma_start3A_262] : memref<10000x128xf32, #tpu.memory_space<hbm>> -> memref<10000x128xf32, #tpu.memory_space<hbm>>
    tpu.enqueue_indirect_dma source(%dma_start3A_263 : memref<10000x128xf32, #tpu.memory_space<hbm>>) target(%arg6 : memref<128x128xf32, #tpu.memory_space<vmem>>) offsets(%dma_start3A_260 : memref<128xi32, #tpu.memory_space<vmem>>) semaphore(%arg7 : memref<!tpu.dma_semaphore, #tpu.memory_space<semaphore_mem>>)
    %dma_wait3A_264 = arith.constant 16 : i32
    %dma_wait3A_265 = arith.constant 0 : i32
    %dma_wait3A_266 = tpu.memref_slice %arg5[%dma_wait3A_264, %dma_wait3A_265] : memref<20x128xi32, #tpu.memory_space<vmem>> -> memref<1x128xi32, #tpu.memory_space<vmem>>
    %dma_wait3A_267 = tpu.memref_squeeze %dma_wait3A_266 : memref<1x128xi32, #tpu.memory_space<vmem>> -> memref<128xi32, #tpu.memory_space<vmem>>
    %dma_wait3A_268 = arith.constant 0 : i32
    %dma_wait3A_269 = arith.constant 0 : i32
    %dma_wait3A_270 = tpu.memref_slice %arg2[%dma_wait3A_268, %dma_wait3A_269] : memref<10000x128xf32, #tpu.memory_space<hbm>> -> memref<10000x128xf32, #tpu.memory_space<hbm>>
    tpu.wait_indirect_dma semaphore(%arg7 : memref<!tpu.dma_semaphore, #tpu.memory_space<semaphore_mem>>) src(%dma_wait3A_270 : memref<10000x128xf32, #tpu.memory_space<hbm>>) dst(%arg6 : memref<128x128xf32, #tpu.memory_space<vmem>>)
    %add3A_271 = arith.constant 2048 : i32
    %add3A_272 = arith.addi %mul3A_2, %add3A_271 : i32
    "tpu.region"() ({
      %run_scoped3A = tpu.sem_alloc : memref<!tpu.dma_semaphore, #tpu.memory_space<semaphore_mem>>
      %dma_start3A_321 = arith.constant 0 : i32
      %dma_start3A_322 = tpu.memref_slice %arg4[%add3A_272, %dma_start3A_321] : memref<81920x128xf32, #tpu.memory_space<hbm>> -> memref<128x128xf32, #tpu.memory_space<hbm>>
      %dma_start3A_323 = arith.constant 0 : i32
      %dma_start3A_324 = tpu.memref_slice %arg4[%add3A_272, %dma_start3A_323] : memref<81920x128xf32, #tpu.memory_space<hbm>> -> memref<128x128xf32, #tpu.memory_space<hbm>>
      tpu.enqueue_dma source(%arg6 : memref<128x128xf32, #tpu.memory_space<vmem>>) target(%dma_start3A_324 : memref<128x128xf32, #tpu.memory_space<hbm>>) target_semaphore(%run_scoped3A : memref<!tpu.dma_semaphore, #tpu.memory_space<semaphore_mem>>)
      %dma_wait3A_325 = arith.constant 0 : i32
      %dma_wait3A_326 = tpu.memref_slice %arg4[%add3A_272, %dma_wait3A_325] : memref<81920x128xf32, #tpu.memory_space<hbm>> -> memref<128x128xf32, #tpu.memory_space<hbm>>
      %dma_wait3A_327 = arith.constant 0 : i32
      %dma_wait3A_328 = tpu.memref_slice %arg4[%add3A_272, %dma_wait3A_327] : memref<81920x128xf32, #tpu.memory_space<hbm>> -> memref<128x128xf32, #tpu.memory_space<hbm>>
      tpu.wait_dma2 semaphore(%run_scoped3A : memref<!tpu.dma_semaphore, #tpu.memory_space<semaphore_mem>>) src(%arg6 : memref<128x128xf32, #tpu.memory_space<vmem>>) dst(%dma_wait3A_328 : memref<128x128xf32, #tpu.memory_space<hbm>>)
      tpu.yield
    }) : () -> ()
    %dma_start3A_273 = arith.constant 17 : i32
    %dma_start3A_274 = arith.constant 0 : i32
    %dma_start3A_275 = tpu.memref_slice %arg5[%dma_start3A_273, %dma_start3A_274] : memref<20x128xi32, #tpu.memory_space<vmem>> -> memref<1x128xi32, #tpu.memory_space<vmem>>
    %dma_start3A_276 = tpu.memref_squeeze %dma_start3A_275 : memref<1x128xi32, #tpu.memory_space<vmem>> -> memref<128xi32, #tpu.memory_space<vmem>>
    %dma_start3A_277 = arith.constant 0 : i32
    %dma_start3A_278 = arith.constant 0 : i32
    %dma_start3A_279 = tpu.memref_slice %arg2[%dma_start3A_277, %dma_start3A_278] : memref<10000x128xf32, #tpu.memory_space<hbm>> -> memref<10000x128xf32, #tpu.memory_space<hbm>>
    tpu.enqueue_indirect_dma source(%dma_start3A_279 : memref<10000x128xf32, #tpu.memory_space<hbm>>) target(%arg6 : memref<128x128xf32, #tpu.memory_space<vmem>>) offsets(%dma_start3A_276 : memref<128xi32, #tpu.memory_space<vmem>>) semaphore(%arg7 : memref<!tpu.dma_semaphore, #tpu.memory_space<semaphore_mem>>)
    %dma_wait3A_280 = arith.constant 17 : i32
    %dma_wait3A_281 = arith.constant 0 : i32
    %dma_wait3A_282 = tpu.memref_slice %arg5[%dma_wait3A_280, %dma_wait3A_281] : memref<20x128xi32, #tpu.memory_space<vmem>> -> memref<1x128xi32, #tpu.memory_space<vmem>>
    %dma_wait3A_283 = tpu.memref_squeeze %dma_wait3A_282 : memref<1x128xi32, #tpu.memory_space<vmem>> -> memref<128xi32, #tpu.memory_space<vmem>>
    %dma_wait3A_284 = arith.constant 0 : i32
    %dma_wait3A_285 = arith.constant 0 : i32
    %dma_wait3A_286 = tpu.memref_slice %arg2[%dma_wait3A_284, %dma_wait3A_285] : memref<10000x128xf32, #tpu.memory_space<hbm>> -> memref<10000x128xf32, #tpu.memory_space<hbm>>
    tpu.wait_indirect_dma semaphore(%arg7 : memref<!tpu.dma_semaphore, #tpu.memory_space<semaphore_mem>>) src(%dma_wait3A_286 : memref<10000x128xf32, #tpu.memory_space<hbm>>) dst(%arg6 : memref<128x128xf32, #tpu.memory_space<vmem>>)
    %add3A_287 = arith.constant 2176 : i32
    %add3A_288 = arith.addi %mul3A_2, %add3A_287 : i32
    "tpu.region"() ({
      %run_scoped3A = tpu.sem_alloc : memref<!tpu.dma_semaphore, #tpu.memory_space<semaphore_mem>>
      %dma_start3A_321 = arith.constant 0 : i32
      %dma_start3A_322 = tpu.memref_slice %arg4[%add3A_288, %dma_start3A_321] : memref<81920x128xf32, #tpu.memory_space<hbm>> -> memref<128x128xf32, #tpu.memory_space<hbm>>
      %dma_start3A_323 = arith.constant 0 : i32
      %dma_start3A_324 = tpu.memref_slice %arg4[%add3A_288, %dma_start3A_323] : memref<81920x128xf32, #tpu.memory_space<hbm>> -> memref<128x128xf32, #tpu.memory_space<hbm>>
      tpu.enqueue_dma source(%arg6 : memref<128x128xf32, #tpu.memory_space<vmem>>) target(%dma_start3A_324 : memref<128x128xf32, #tpu.memory_space<hbm>>) target_semaphore(%run_scoped3A : memref<!tpu.dma_semaphore, #tpu.memory_space<semaphore_mem>>)
      %dma_wait3A_325 = arith.constant 0 : i32
      %dma_wait3A_326 = tpu.memref_slice %arg4[%add3A_288, %dma_wait3A_325] : memref<81920x128xf32, #tpu.memory_space<hbm>> -> memref<128x128xf32, #tpu.memory_space<hbm>>
      %dma_wait3A_327 = arith.constant 0 : i32
      %dma_wait3A_328 = tpu.memref_slice %arg4[%add3A_288, %dma_wait3A_327] : memref<81920x128xf32, #tpu.memory_space<hbm>> -> memref<128x128xf32, #tpu.memory_space<hbm>>
      tpu.wait_dma2 semaphore(%run_scoped3A : memref<!tpu.dma_semaphore, #tpu.memory_space<semaphore_mem>>) src(%arg6 : memref<128x128xf32, #tpu.memory_space<vmem>>) dst(%dma_wait3A_328 : memref<128x128xf32, #tpu.memory_space<hbm>>)
      tpu.yield
    }) : () -> ()
    %dma_start3A_289 = arith.constant 18 : i32
    %dma_start3A_290 = arith.constant 0 : i32
    %dma_start3A_291 = tpu.memref_slice %arg5[%dma_start3A_289, %dma_start3A_290] : memref<20x128xi32, #tpu.memory_space<vmem>> -> memref<1x128xi32, #tpu.memory_space<vmem>>
    %dma_start3A_292 = tpu.memref_squeeze %dma_start3A_291 : memref<1x128xi32, #tpu.memory_space<vmem>> -> memref<128xi32, #tpu.memory_space<vmem>>
    %dma_start3A_293 = arith.constant 0 : i32
    %dma_start3A_294 = arith.constant 0 : i32
    %dma_start3A_295 = tpu.memref_slice %arg2[%dma_start3A_293, %dma_start3A_294] : memref<10000x128xf32, #tpu.memory_space<hbm>> -> memref<10000x128xf32, #tpu.memory_space<hbm>>
    tpu.enqueue_indirect_dma source(%dma_start3A_295 : memref<10000x128xf32, #tpu.memory_space<hbm>>) target(%arg6 : memref<128x128xf32, #tpu.memory_space<vmem>>) offsets(%dma_start3A_292 : memref<128xi32, #tpu.memory_space<vmem>>) semaphore(%arg7 : memref<!tpu.dma_semaphore, #tpu.memory_space<semaphore_mem>>)
    %dma_wait3A_296 = arith.constant 18 : i32
    %dma_wait3A_297 = arith.constant 0 : i32
    %dma_wait3A_298 = tpu.memref_slice %arg5[%dma_wait3A_296, %dma_wait3A_297] : memref<20x128xi32, #tpu.memory_space<vmem>> -> memref<1x128xi32, #tpu.memory_space<vmem>>
    %dma_wait3A_299 = tpu.memref_squeeze %dma_wait3A_298 : memref<1x128xi32, #tpu.memory_space<vmem>> -> memref<128xi32, #tpu.memory_space<vmem>>
    %dma_wait3A_300 = arith.constant 0 : i32
    %dma_wait3A_301 = arith.constant 0 : i32
    %dma_wait3A_302 = tpu.memref_slice %arg2[%dma_wait3A_300, %dma_wait3A_301] : memref<10000x128xf32, #tpu.memory_space<hbm>> -> memref<10000x128xf32, #tpu.memory_space<hbm>>
    tpu.wait_indirect_dma semaphore(%arg7 : memref<!tpu.dma_semaphore, #tpu.memory_space<semaphore_mem>>) src(%dma_wait3A_302 : memref<10000x128xf32, #tpu.memory_space<hbm>>) dst(%arg6 : memref<128x128xf32, #tpu.memory_space<vmem>>)
    %add3A_303 = arith.constant 2304 : i32
    %add3A_304 = arith.addi %mul3A_2, %add3A_303 : i32
    "tpu.region"() ({
      %run_scoped3A = tpu.sem_alloc : memref<!tpu.dma_semaphore, #tpu.memory_space<semaphore_mem>>
      %dma_start3A_321 = arith.constant 0 : i32
      %dma_start3A_322 = tpu.memref_slice %arg4[%add3A_304, %dma_start3A_321] : memref<81920x128xf32, #tpu.memory_space<hbm>> -> memref<128x128xf32, #tpu.memory_space<hbm>>
      %dma_start3A_323 = arith.constant 0 : i32
      %dma_start3A_324 = tpu.memref_slice %arg4[%add3A_304, %dma_start3A_323] : memref<81920x128xf32, #tpu.memory_space<hbm>> -> memref<128x128xf32, #tpu.memory_space<hbm>>
      tpu.enqueue_dma source(%arg6 : memref<128x128xf32, #tpu.memory_space<vmem>>) target(%dma_start3A_324 : memref<128x128xf32, #tpu.memory_space<hbm>>) target_semaphore(%run_scoped3A : memref<!tpu.dma_semaphore, #tpu.memory_space<semaphore_mem>>)
      %dma_wait3A_325 = arith.constant 0 : i32
      %dma_wait3A_326 = tpu.memref_slice %arg4[%add3A_304, %dma_wait3A_325] : memref<81920x128xf32, #tpu.memory_space<hbm>> -> memref<128x128xf32, #tpu.memory_space<hbm>>
      %dma_wait3A_327 = arith.constant 0 : i32
      %dma_wait3A_328 = tpu.memref_slice %arg4[%add3A_304, %dma_wait3A_327] : memref<81920x128xf32, #tpu.memory_space<hbm>> -> memref<128x128xf32, #tpu.memory_space<hbm>>
      tpu.wait_dma2 semaphore(%run_scoped3A : memref<!tpu.dma_semaphore, #tpu.memory_space<semaphore_mem>>) src(%arg6 : memref<128x128xf32, #tpu.memory_space<vmem>>) dst(%dma_wait3A_328 : memref<128x128xf32, #tpu.memory_space<hbm>>)
      tpu.yield
    }) : () -> ()
    %dma_start3A_305 = arith.constant 19 : i32
    %dma_start3A_306 = arith.constant 0 : i32
    %dma_start3A_307 = tpu.memref_slice %arg5[%dma_start3A_305, %dma_start3A_306] : memref<20x128xi32, #tpu.memory_space<vmem>> -> memref<1x128xi32, #tpu.memory_space<vmem>>
    %dma_start3A_308 = tpu.memref_squeeze %dma_start3A_307 : memref<1x128xi32, #tpu.memory_space<vmem>> -> memref<128xi32, #tpu.memory_space<vmem>>
    %dma_start3A_309 = arith.constant 0 : i32
    %dma_start3A_310 = arith.constant 0 : i32
    %dma_start3A_311 = tpu.memref_slice %arg2[%dma_start3A_309, %dma_start3A_310] : memref<10000x128xf32, #tpu.memory_space<hbm>> -> memref<10000x128xf32, #tpu.memory_space<hbm>>
    tpu.enqueue_indirect_dma source(%dma_start3A_311 : memref<10000x128xf32, #tpu.memory_space<hbm>>) target(%arg6 : memref<128x128xf32, #tpu.memory_space<vmem>>) offsets(%dma_start3A_308 : memref<128xi32, #tpu.memory_space<vmem>>) semaphore(%arg7 : memref<!tpu.dma_semaphore, #tpu.memory_space<semaphore_mem>>)
    %dma_wait3A_312 = arith.constant 19 : i32
    %dma_wait3A_313 = arith.constant 0 : i32
    %dma_wait3A_314 = tpu.memref_slice %arg5[%dma_wait3A_312, %dma_wait3A_313] : memref<20x128xi32, #tpu.memory_space<vmem>> -> memref<1x128xi32, #tpu.memory_space<vmem>>
    %dma_wait3A_315 = tpu.memref_squeeze %dma_wait3A_314 : memref<1x128xi32, #tpu.memory_space<vmem>> -> memref<128xi32, #tpu.memory_space<vmem>>
    %dma_wait3A_316 = arith.constant 0 : i32
    %dma_wait3A_317 = arith.constant 0 : i32
    %dma_wait3A_318 = tpu.memref_slice %arg2[%dma_wait3A_316, %dma_wait3A_317] : memref<10000x128xf32, #tpu.memory_space<hbm>> -> memref<10000x128xf32, #tpu.memory_space<hbm>>
    tpu.wait_indirect_dma semaphore(%arg7 : memref<!tpu.dma_semaphore, #tpu.memory_space<semaphore_mem>>) src(%dma_wait3A_318 : memref<10000x128xf32, #tpu.memory_space<hbm>>) dst(%arg6 : memref<128x128xf32, #tpu.memory_space<vmem>>)
    %add3A_319 = arith.constant 2432 : i32
    %add3A_320 = arith.addi %mul3A_2, %add3A_319 : i32
    "tpu.region"() ({
      %run_scoped3A = tpu.sem_alloc : memref<!tpu.dma_semaphore, #tpu.memory_space<semaphore_mem>>
      %dma_start3A_321 = arith.constant 0 : i32
      %dma_start3A_322 = tpu.memref_slice %arg4[%add3A_320, %dma_start3A_321] : memref<81920x128xf32, #tpu.memory_space<hbm>> -> memref<128x128xf32, #tpu.memory_space<hbm>>
      %dma_start3A_323 = arith.constant 0 : i32
      %dma_start3A_324 = tpu.memref_slice %arg4[%add3A_320, %dma_start3A_323] : memref<81920x128xf32, #tpu.memory_space<hbm>> -> memref<128x128xf32, #tpu.memory_space<hbm>>
      tpu.enqueue_dma source(%arg6 : memref<128x128xf32, #tpu.memory_space<vmem>>) target(%dma_start3A_324 : memref<128x128xf32, #tpu.memory_space<hbm>>) target_semaphore(%run_scoped3A : memref<!tpu.dma_semaphore, #tpu.memory_space<semaphore_mem>>)
      %dma_wait3A_325 = arith.constant 0 : i32
      %dma_wait3A_326 = tpu.memref_slice %arg4[%add3A_320, %dma_wait3A_325] : memref<81920x128xf32, #tpu.memory_space<hbm>> -> memref<128x128xf32, #tpu.memory_space<hbm>>
      %dma_wait3A_327 = arith.constant 0 : i32
      %dma_wait3A_328 = tpu.memref_slice %arg4[%add3A_320, %dma_wait3A_327] : memref<81920x128xf32, #tpu.memory_space<hbm>> -> memref<128x128xf32, #tpu.memory_space<hbm>>
      tpu.wait_dma2 semaphore(%run_scoped3A : memref<!tpu.dma_semaphore, #tpu.memory_space<semaphore_mem>>) src(%arg6 : memref<128x128xf32, #tpu.memory_space<vmem>>) dst(%dma_wait3A_328 : memref<128x128xf32, #tpu.memory_space<hbm>>)
      tpu.yield
    }) : () -> ()
    return
  }
}

module attributes {stable_mosaic.version = 14 : i64} {
  func.func @_fps_body(%arg0: memref<10000x3xf32, #tpu.memory_space<vmem>>, %arg1: memref<3x8x1280xf32, #tpu.memory_space<vmem>>, %arg2: memref<5000x1xi32, #tpu.memory_space<vmem>>, %arg3: memref<5000x3xf32, #tpu.memory_space<vmem>>) attributes {dimension_semantics = [], scalar_prefetch = 0 : i64, scratch_operands = 0 : i64, tpu.core_type = #tpu.core_type<tc>} {
    %iota3A = tpu.iota {dimensions = array<i32: 0>} : vector<8x1280xi32>
    %mul3A = arith.constant 1280 : i32
    %mul3A_0 = vector.broadcast %mul3A : i32 to vector<8x1280xi32>
    %mul3A_1 = arith.muli %iota3A, %mul3A_0 : vector<8x1280xi32>
    %iota3A_2 = tpu.iota {dimensions = array<i32: 1>} : vector<8x1280xi32>
    %add3A = arith.addi %mul3A_1, %iota3A_2 : vector<8x1280xi32>
    %ge3A = arith.constant 10000 : i32
    %ge3A_3 = vector.broadcast %ge3A : i32 to vector<8x1280xi32>
    %ge3A_4 = arith.cmpi sge, %add3A, %ge3A_3 : vector<8x1280xi32>
    %get3A = arith.constant 0 : index
    %get3A_5 = arith.constant 0 : index
    %get3A_6 = arith.constant 0 : index
    %get3A_7 = vector.load %arg1[%get3A, %get3A_5, %get3A_6] : memref<3x8x1280xf32, #tpu.memory_space<vmem>>, vector<1x8x1280xf32>
    %get3A_8 = vector.shape_cast %get3A_7 : vector<1x8x1280xf32> to vector<8x1280xf32>
    %get3A_9 = arith.constant 1 : index
    %get3A_10 = arith.constant 0 : index
    %get3A_11 = arith.constant 0 : index
    %get3A_12 = vector.load %arg1[%get3A_9, %get3A_10, %get3A_11] : memref<3x8x1280xf32, #tpu.memory_space<vmem>>, vector<1x8x1280xf32>
    %get3A_13 = vector.shape_cast %get3A_12 : vector<1x8x1280xf32> to vector<8x1280xf32>
    %get3A_14 = arith.constant 2 : index
    %get3A_15 = arith.constant 0 : index
    %get3A_16 = arith.constant 0 : index
    %get3A_17 = vector.load %arg1[%get3A_14, %get3A_15, %get3A_16] : memref<3x8x1280xf32, #tpu.memory_space<vmem>>, vector<1x8x1280xf32>
    %get3A_18 = vector.shape_cast %get3A_17 : vector<1x8x1280xf32> to vector<8x1280xf32>
    %get3A_19 = arith.constant 0 : index
    %get3A_20 = arith.constant 0 : index
    %get3A_21 = vector.load %arg0[%get3A_19, %get3A_20] : memref<10000x3xf32, #tpu.memory_space<vmem>>, vector<1x3xf32>
    %slice3A = vector.extract_strided_slice %get3A_21 {offsets = [0, 0], sizes = [1, 1], strides = [1, 1]} : vector<1x3xf32> to vector<1x1xf32>
    %sub3A = vector.broadcast %slice3A : vector<1x1xf32> to vector<8x1280xf32>
    %sub3A_22 = arith.subf %get3A_8, %sub3A : vector<8x1280xf32>
    %slice3A_23 = vector.extract_strided_slice %get3A_21 {offsets = [0, 1], sizes = [1, 1], strides = [1, 1]} : vector<1x3xf32> to vector<1x1xf32>
    %sub3A_24 = vector.broadcast %slice3A_23 : vector<1x1xf32> to vector<8x1280xf32>
    %sub3A_25 = arith.subf %get3A_13, %sub3A_24 : vector<8x1280xf32>
    %slice3A_26 = vector.extract_strided_slice %get3A_21 {offsets = [0, 2], sizes = [1, 1], strides = [1, 1]} : vector<1x3xf32> to vector<1x1xf32>
    %sub3A_27 = vector.broadcast %slice3A_26 : vector<1x1xf32> to vector<8x1280xf32>
    %sub3A_28 = arith.subf %get3A_18, %sub3A_27 : vector<8x1280xf32>
    %mul3A_29 = arith.mulf %sub3A_22, %sub3A_22 : vector<8x1280xf32>
    %mul3A_30 = arith.mulf %sub3A_28, %sub3A_28 : vector<8x1280xf32>
    %add3A_31 = arith.addf %mul3A_29, %mul3A_30 : vector<8x1280xf32>
    %mul3A_32 = arith.mulf %sub3A_25, %sub3A_25 : vector<8x1280xf32>
    %add3A_33 = arith.addf %add3A_31, %mul3A_32 : vector<8x1280xf32>
    %jit3A = arith.constant 0xFF800000 : f32
    %broadcast_in_dim3A = vector.broadcast %jit3A : f32 to vector<8x1280xf32>
    %select_n3A = arith.select %ge3A_4, %broadcast_in_dim3A, %add3A_33 : vector<8x1280xi1>, vector<8x1280xf32>
    %broadcast_in_dim3A_34 = arith.constant 0 : i32
    %broadcast_in_dim3A_35 = vector.broadcast %broadcast_in_dim3A_34 : i32 to vector<1x1xi32>
    %swap3A = arith.constant 0 : index
    %swap3A_36 = arith.constant 0 : index
    %swap3A_37 = vector.load %arg2[%swap3A, %swap3A_36] : memref<5000x1xi32, #tpu.memory_space<vmem>>, vector<1x1xi32>
    tpu.vector_store %arg2[%swap3A, %swap3A_36], %broadcast_in_dim3A_35 {strides = array<i32>} : memref<5000x1xi32, #tpu.memory_space<vmem>>, vector<1x1xi32>,
    %scan3A = arith.constant 0 : i32
    %scan3A_38 = arith.constant 1 : i32
    %scan3A_39 = arith.constant 4999 : i32
    %scan3A_40 = arith.addi %scan3A_38, %scan3A_39 : i32
    %scan3A_41 = arith.constant 1 : i32
    %scan3A_42:2 = scf.for %scan3A_50 = %scan3A_38 to %scan3A_40 step %scan3A_41 iter_args(%scan3A_51 = %scan3A, %scan3A_52 = %select_n3A) -> (i32, vector<8x1280xf32>)  : i32 {
      %get3A_53 = arith.index_cast %scan3A_51 : i32 to index
      %get3A_54 = arith.constant 0 : index
      %get3A_55 = vector.load %arg0[%get3A_53, %get3A_54] : memref<10000x3xf32, #tpu.memory_space<vmem>>, vector<1x3xf32>
      %sub3A_56 = arith.constant 1 : i32
      %sub3A_57 = arith.subi %scan3A_50, %sub3A_56 : i32
      %swap3A_58 = arith.index_cast %sub3A_57 : i32 to index
      %swap3A_59 = arith.constant 0 : index
      %swap3A_60 = vector.load %arg3[%swap3A_58, %swap3A_59] : memref<5000x3xf32, #tpu.memory_space<vmem>>, vector<1x3xf32>
      tpu.vector_store %arg3[%swap3A_58, %swap3A_59], %get3A_55 {strides = array<i32>} : memref<5000x3xf32, #tpu.memory_space<vmem>>, vector<1x3xf32>,
      %slice3A_61 = vector.extract_strided_slice %get3A_55 {offsets = [0, 0], sizes = [1, 1], strides = [1, 1]} : vector<1x3xf32> to vector<1x1xf32>
      %sub3A_62 = vector.broadcast %slice3A_61 : vector<1x1xf32> to vector<8x1280xf32>
      %sub3A_63 = arith.subf %get3A_8, %sub3A_62 : vector<8x1280xf32>
      %slice3A_64 = vector.extract_strided_slice %get3A_55 {offsets = [0, 1], sizes = [1, 1], strides = [1, 1]} : vector<1x3xf32> to vector<1x1xf32>
      %sub3A_65 = vector.broadcast %slice3A_64 : vector<1x1xf32> to vector<8x1280xf32>
      %sub3A_66 = arith.subf %get3A_13, %sub3A_65 : vector<8x1280xf32>
      %slice3A_67 = vector.extract_strided_slice %get3A_55 {offsets = [0, 2], sizes = [1, 1], strides = [1, 1]} : vector<1x3xf32> to vector<1x1xf32>
      %sub3A_68 = vector.broadcast %slice3A_67 : vector<1x1xf32> to vector<8x1280xf32>
      %sub3A_69 = arith.subf %get3A_18, %sub3A_68 : vector<8x1280xf32>
      %mul3A_70 = arith.mulf %sub3A_63, %sub3A_63 : vector<8x1280xf32>
      %mul3A_71 = arith.mulf %sub3A_69, %sub3A_69 : vector<8x1280xf32>
      %add3A_72 = arith.addf %mul3A_70, %mul3A_71 : vector<8x1280xf32>
      %mul3A_73 = arith.mulf %sub3A_66, %sub3A_66 : vector<8x1280xf32>
      %add3A_74 = arith.addf %add3A_72, %mul3A_73 : vector<8x1280xf32>
      %min3A = arith.minimumf %scan3A_52, %add3A_74 : vector<8x1280xf32>
      %slice3A_75 = vector.extract_strided_slice %min3A {offsets = [0, 0], sizes = [8, 128], strides = [1, 1]} : vector<8x1280xf32> to vector<8x128xf32>
      %slice3A_76 = vector.extract_strided_slice %add3A {offsets = [0, 0], sizes = [8, 128], strides = [1, 1]} : vector<8x1280xi32> to vector<8x128xi32>
      %slice3A_77 = vector.extract_strided_slice %min3A {offsets = [0, 128], sizes = [8, 128], strides = [1, 1]} : vector<8x1280xf32> to vector<8x128xf32>
      %slice3A_78 = vector.extract_strided_slice %add3A {offsets = [0, 128], sizes = [8, 128], strides = [1, 1]} : vector<8x1280xi32> to vector<8x128xi32>
      %slice3A_79 = vector.extract_strided_slice %min3A {offsets = [0, 256], sizes = [8, 128], strides = [1, 1]} : vector<8x1280xf32> to vector<8x128xf32>
      %slice3A_80 = vector.extract_strided_slice %add3A {offsets = [0, 256], sizes = [8, 128], strides = [1, 1]} : vector<8x1280xi32> to vector<8x128xi32>
      %slice3A_81 = vector.extract_strided_slice %min3A {offsets = [0, 384], sizes = [8, 128], strides = [1, 1]} : vector<8x1280xf32> to vector<8x128xf32>
      %slice3A_82 = vector.extract_strided_slice %add3A {offsets = [0, 384], sizes = [8, 128], strides = [1, 1]} : vector<8x1280xi32> to vector<8x128xi32>
      %slice3A_83 = vector.extract_strided_slice %min3A {offsets = [0, 512], sizes = [8, 128], strides = [1, 1]} : vector<8x1280xf32> to vector<8x128xf32>
      %slice3A_84 = vector.extract_strided_slice %add3A {offsets = [0, 512], sizes = [8, 128], strides = [1, 1]} : vector<8x1280xi32> to vector<8x128xi32>
      %slice3A_85 = vector.extract_strided_slice %min3A {offsets = [0, 640], sizes = [8, 128], strides = [1, 1]} : vector<8x1280xf32> to vector<8x128xf32>
      %slice3A_86 = vector.extract_strided_slice %add3A {offsets = [0, 640], sizes = [8, 128], strides = [1, 1]} : vector<8x1280xi32> to vector<8x128xi32>
      %slice3A_87 = vector.extract_strided_slice %min3A {offsets = [0, 768], sizes = [8, 128], strides = [1, 1]} : vector<8x1280xf32> to vector<8x128xf32>
      %slice3A_88 = vector.extract_strided_slice %add3A {offsets = [0, 768], sizes = [8, 128], strides = [1, 1]} : vector<8x1280xi32> to vector<8x128xi32>
      %slice3A_89 = vector.extract_strided_slice %min3A {offsets = [0, 896], sizes = [8, 128], strides = [1, 1]} : vector<8x1280xf32> to vector<8x128xf32>
      %slice3A_90 = vector.extract_strided_slice %add3A {offsets = [0, 896], sizes = [8, 128], strides = [1, 1]} : vector<8x1280xi32> to vector<8x128xi32>
      %slice3A_91 = vector.extract_strided_slice %min3A {offsets = [0, 1024], sizes = [8, 128], strides = [1, 1]} : vector<8x1280xf32> to vector<8x128xf32>
      %slice3A_92 = vector.extract_strided_slice %add3A {offsets = [0, 1024], sizes = [8, 128], strides = [1, 1]} : vector<8x1280xi32> to vector<8x128xi32>
      %slice3A_93 = vector.extract_strided_slice %min3A {offsets = [0, 1152], sizes = [8, 128], strides = [1, 1]} : vector<8x1280xf32> to vector<8x128xf32>
      %slice3A_94 = vector.extract_strided_slice %add3A {offsets = [0, 1152], sizes = [8, 128], strides = [1, 1]} : vector<8x1280xi32> to vector<8x128xi32>
      %gt3A = arith.cmpf ogt, %slice3A_77, %slice3A_75 : vector<8x128xf32>
      %eq3A = arith.cmpf oeq, %slice3A_77, %slice3A_75 : vector<8x128xf32>
      %lt3A = arith.cmpi slt, %slice3A_78, %slice3A_76 : vector<8x128xi32>
      %and3A = arith.andi %eq3A, %lt3A : vector<8x128xi1>
      %or3A = arith.ori %gt3A, %and3A : vector<8x128xi1>
      %select_n3A_95 = arith.select %or3A, %slice3A_77, %slice3A_75 : vector<8x128xi1>, vector<8x128xf32>
      %select_n3A_96 = arith.select %or3A, %slice3A_78, %slice3A_76 : vector<8x128xi1>, vector<8x128xi32>
      %gt3A_97 = arith.cmpf ogt, %slice3A_81, %slice3A_79 : vector<8x128xf32>
      %eq3A_98 = arith.cmpf oeq, %slice3A_81, %slice3A_79 : vector<8x128xf32>
      %lt3A_99 = arith.cmpi slt, %slice3A_82, %slice3A_80 : vector<8x128xi32>
      %and3A_100 = arith.andi %eq3A_98, %lt3A_99 : vector<8x128xi1>
      %or3A_101 = arith.ori %gt3A_97, %and3A_100 : vector<8x128xi1>
      %select_n3A_102 = arith.select %or3A_101, %slice3A_81, %slice3A_79 : vector<8x128xi1>, vector<8x128xf32>
      %select_n3A_103 = arith.select %or3A_101, %slice3A_82, %slice3A_80 : vector<8x128xi1>, vector<8x128xi32>
      %gt3A_104 = arith.cmpf ogt, %slice3A_85, %slice3A_83 : vector<8x128xf32>
      %eq3A_105 = arith.cmpf oeq, %slice3A_85, %slice3A_83 : vector<8x128xf32>
      %lt3A_106 = arith.cmpi slt, %slice3A_86, %slice3A_84 : vector<8x128xi32>
      %and3A_107 = arith.andi %eq3A_105, %lt3A_106 : vector<8x128xi1>
      %or3A_108 = arith.ori %gt3A_104, %and3A_107 : vector<8x128xi1>
      %select_n3A_109 = arith.select %or3A_108, %slice3A_85, %slice3A_83 : vector<8x128xi1>, vector<8x128xf32>
      %select_n3A_110 = arith.select %or3A_108, %slice3A_86, %slice3A_84 : vector<8x128xi1>, vector<8x128xi32>
      %gt3A_111 = arith.cmpf ogt, %slice3A_89, %slice3A_87 : vector<8x128xf32>
      %eq3A_112 = arith.cmpf oeq, %slice3A_89, %slice3A_87 : vector<8x128xf32>
      %lt3A_113 = arith.cmpi slt, %slice3A_90, %slice3A_88 : vector<8x128xi32>
      %and3A_114 = arith.andi %eq3A_112, %lt3A_113 : vector<8x128xi1>
      %or3A_115 = arith.ori %gt3A_111, %and3A_114 : vector<8x128xi1>
      %select_n3A_116 = arith.select %or3A_115, %slice3A_89, %slice3A_87 : vector<8x128xi1>, vector<8x128xf32>
      %select_n3A_117 = arith.select %or3A_115, %slice3A_90, %slice3A_88 : vector<8x128xi1>, vector<8x128xi32>
      %gt3A_118 = arith.cmpf ogt, %slice3A_93, %slice3A_91 : vector<8x128xf32>
      %eq3A_119 = arith.cmpf oeq, %slice3A_93, %slice3A_91 : vector<8x128xf32>
      %lt3A_120 = arith.cmpi slt, %slice3A_94, %slice3A_92 : vector<8x128xi32>
      %and3A_121 = arith.andi %eq3A_119, %lt3A_120 : vector<8x128xi1>
      %or3A_122 = arith.ori %gt3A_118, %and3A_121 : vector<8x128xi1>
      %select_n3A_123 = arith.select %or3A_122, %slice3A_93, %slice3A_91 : vector<8x128xi1>, vector<8x128xf32>
      %select_n3A_124 = arith.select %or3A_122, %slice3A_94, %slice3A_92 : vector<8x128xi1>, vector<8x128xi32>
      %gt3A_125 = arith.cmpf ogt, %select_n3A_102, %select_n3A_95 : vector<8x128xf32>
      %eq3A_126 = arith.cmpf oeq, %select_n3A_102, %select_n3A_95 : vector<8x128xf32>
      %lt3A_127 = arith.cmpi slt, %select_n3A_103, %select_n3A_96 : vector<8x128xi32>
      %and3A_128 = arith.andi %eq3A_126, %lt3A_127 : vector<8x128xi1>
      %or3A_129 = arith.ori %gt3A_125, %and3A_128 : vector<8x128xi1>
      %select_n3A_130 = arith.select %or3A_129, %select_n3A_102, %select_n3A_95 : vector<8x128xi1>, vector<8x128xf32>
      %select_n3A_131 = arith.select %or3A_129, %select_n3A_103, %select_n3A_96 : vector<8x128xi1>, vector<8x128xi32>
      %gt3A_132 = arith.cmpf ogt, %select_n3A_116, %select_n3A_109 : vector<8x128xf32>
      %eq3A_133 = arith.cmpf oeq, %select_n3A_116, %select_n3A_109 : vector<8x128xf32>
      %lt3A_134 = arith.cmpi slt, %select_n3A_117, %select_n3A_110 : vector<8x128xi32>
      %and3A_135 = arith.andi %eq3A_133, %lt3A_134 : vector<8x128xi1>
      %or3A_136 = arith.ori %gt3A_132, %and3A_135 : vector<8x128xi1>
      %select_n3A_137 = arith.select %or3A_136, %select_n3A_116, %select_n3A_109 : vector<8x128xi1>, vector<8x128xf32>
      %select_n3A_138 = arith.select %or3A_136, %select_n3A_117, %select_n3A_110 : vector<8x128xi1>, vector<8x128xi32>
      %gt3A_139 = arith.cmpf ogt, %select_n3A_137, %select_n3A_130 : vector<8x128xf32>
      %eq3A_140 = arith.cmpf oeq, %select_n3A_137, %select_n3A_130 : vector<8x128xf32>
      %lt3A_141 = arith.cmpi slt, %select_n3A_138, %select_n3A_131 : vector<8x128xi32>
      %and3A_142 = arith.andi %eq3A_140, %lt3A_141 : vector<8x128xi1>
      %or3A_143 = arith.ori %gt3A_139, %and3A_142 : vector<8x128xi1>
      %select_n3A_144 = arith.select %or3A_143, %select_n3A_137, %select_n3A_130 : vector<8x128xi1>, vector<8x128xf32>
      %select_n3A_145 = arith.select %or3A_143, %select_n3A_138, %select_n3A_131 : vector<8x128xi1>, vector<8x128xi32>
      %gt3A_146 = arith.cmpf ogt, %select_n3A_123, %select_n3A_144 : vector<8x128xf32>
      %eq3A_147 = arith.cmpf oeq, %select_n3A_123, %select_n3A_144 : vector<8x128xf32>
      %lt3A_148 = arith.cmpi slt, %select_n3A_124, %select_n3A_145 : vector<8x128xi32>
      %and3A_149 = arith.andi %eq3A_147, %lt3A_148 : vector<8x128xi1>
      %or3A_150 = arith.ori %gt3A_146, %and3A_149 : vector<8x128xi1>
      %select_n3A_151 = arith.select %or3A_150, %select_n3A_123, %select_n3A_144 : vector<8x128xi1>, vector<8x128xf32>
      %select_n3A_152 = arith.select %or3A_150, %select_n3A_124, %select_n3A_145 : vector<8x128xi1>, vector<8x128xi32>
      %reduce_max3A = arith.constant dense<0xFF800000> : vector<128xf32>
      %reduce_max3A_153 = vector.multi_reduction <maximumf>, %select_n3A_151, %reduce_max3A [0] : vector<8x128xf32> to vector<128xf32>
      %broadcast_in_dim3A_154 = vector.shape_cast %reduce_max3A_153 : vector<128xf32> to vector<1x128xf32>
      %reduce_max3A_155 = arith.constant dense<0xFF800000> : vector<1xf32>
      %reduce_max3A_156 = vector.multi_reduction <maximumf>, %broadcast_in_dim3A_154, %reduce_max3A_155 [1] : vector<1x128xf32> to vector<1xf32>
      %broadcast_in_dim3A_157 = vector.shape_cast %reduce_max3A_156 : vector<1xf32> to vector<1x1xf32>
      %eq3A_158 = vector.broadcast %broadcast_in_dim3A_157 : vector<1x1xf32> to vector<8x128xf32>
      %eq3A_159 = arith.cmpf oeq, %select_n3A_151, %eq3A_158 : vector<8x128xf32>
      %jit3A_160 = arith.constant 1073741824 : i32
      %broadcast_in_dim3A_161 = vector.broadcast %jit3A_160 : i32 to vector<8x128xi32>
      %select_n3A_162 = arith.select %eq3A_159, %select_n3A_152, %broadcast_in_dim3A_161 : vector<8x128xi1>, vector<8x128xi32>
      %reduce_min3A = vector.shape_cast %select_n3A_162 : vector<8x128xi32> to vector<1x8x128xi32>
      %reduce_min3A_163 = arith.constant dense<2147483647> : vector<1xi32>
      %reduce_min3A_164 = vector.multi_reduction <minsi>, %reduce_min3A, %reduce_min3A_163 [1, 2] : vector<1x8x128xi32> to vector<1xi32>
      %reduce_min3A_165 = vector.shape_cast %reduce_min3A_164 : vector<1xi32> to vector<1x1x1xi32>
      %reduce_min3A_166 = vector.extract %reduce_min3A_165[0, 0, 0] : i32 from vector<1x1x1xi32>
      %broadcast_in_dim3A_167 = vector.broadcast %reduce_min3A_166 : i32 to vector<1x1xi32>
      %swap3A_168 = arith.index_cast %scan3A_50 : i32 to index
      %swap3A_169 = arith.constant 0 : index
      %swap3A_170 = vector.load %arg2[%swap3A_168, %swap3A_169] : memref<5000x1xi32, #tpu.memory_space<vmem>>, vector<1x1xi32>
      tpu.vector_store %arg2[%swap3A_168, %swap3A_169], %broadcast_in_dim3A_167 {strides = array<i32>} : memref<5000x1xi32, #tpu.memory_space<vmem>>, vector<1x1xi32>,
      scf.yield %reduce_min3A_166, %min3A : i32, vector<8x1280xf32>
    }
    %scan3A_43 = arith.constant 4999 : i32
    %get3A_44 = arith.index_cast %scan3A_42#0 : i32 to index
    %get3A_45 = arith.constant 0 : index
    %get3A_46 = vector.load %arg0[%get3A_44, %get3A_45] : memref<10000x3xf32, #tpu.memory_space<vmem>>, vector<1x3xf32>
    %swap3A_47 = arith.constant 4999 : index
    %swap3A_48 = arith.constant 0 : index
    %swap3A_49 = vector.load %arg3[%swap3A_47, %swap3A_48] : memref<5000x3xf32, #tpu.memory_space<vmem>>, vector<1x3xf32>
    tpu.vector_store %arg3[%swap3A_47, %swap3A_48], %get3A_46 {strides = array<i32>} : memref<5000x3xf32, #tpu.memory_space<vmem>>, vector<1x3xf32>,
    return
  }
}

module attributes {stable_mosaic.version = 14 : i64} {
  func.func @_radius_body(%arg0: i32, %arg1: i32, %arg2: memref<256x3xf32, #tpu.memory_space<vmem>>, %arg3: memref<3x1024xf32, #tpu.memory_space<vmem>>, %arg4: memref<256x16xi32, #tpu.memory_space<vmem>>, %arg5: memref<256x16xf32, #tpu.memory_space<vmem>>) attributes {dimension_semantics = [#tpu.dimension_semantics<arbitrary>, #tpu.dimension_semantics<arbitrary>], iteration_bounds = array<i64: 20, 10>, scalar_prefetch = 0 : i64, scratch_operands = 0 : i64, tpu.core_type = #tpu.core_type<tc>, window_params = [{transform_indices = @transform_0, window_bounds = array<i64: 256, 3>}, {transform_indices = @transform_1, window_bounds = array<i64: 3, 1024>}, {transform_indices = @transform_2, window_bounds = array<i64: 256, 16>}, {transform_indices = @transform_3, window_bounds = array<i64: 256, 16>}]} {
    %eq3A = arith.constant 0 : i32
    %eq3A_0 = arith.cmpi eq, %arg1, %eq3A : i32
    %convert_element_type3A = arith.extui %eq3A_0 : i1 to i32
    %cond3A = arith.constant 0 : i32
    %cond3A_1 = arith.cmpi ne, %convert_element_type3A, %cond3A : i32
    scf.if %cond3A_1 {
      %broadcast_in_dim3A = arith.constant 1073741824 : i32
      %broadcast_in_dim3A_18 = vector.broadcast %broadcast_in_dim3A : i32 to vector<256x16xi32>
      %swap3A = arith.constant 0 : index
      %swap3A_19 = arith.constant 0 : index
      %swap3A_20 = vector.load %arg4[%swap3A, %swap3A_19] : memref<256x16xi32, #tpu.memory_space<vmem>>, vector<256x16xi32>
      tpu.vector_store %arg4[%swap3A, %swap3A_19], %broadcast_in_dim3A_18 {strides = array<i32>} : memref<256x16xi32, #tpu.memory_space<vmem>>, vector<256x16xi32>,
    } else {
    }
    %get3A = arith.constant 0 : index
    %get3A_2 = arith.constant 15 : index
    %get3A_3 = vector.load %arg4[%get3A, %get3A_2] : memref<256x16xi32, #tpu.memory_space<vmem>>, vector<256x1xi32>
    %reduce_max3A = vector.shape_cast %get3A_3 : vector<256x1xi32> to vector<1x256x1xi32>
    %reduce_max3A_4 = arith.constant dense<-2147483648> : vector<1xi32>
    %reduce_max3A_5 = vector.multi_reduction <maxsi>, %reduce_max3A, %reduce_max3A_4 [1, 2] : vector<1x256x1xi32> to vector<1xi32>
    %reduce_max3A_6 = vector.shape_cast %reduce_max3A_5 : vector<1xi32> to vector<1x1x1xi32>
    %reduce_max3A_7 = vector.extract %reduce_max3A_6[0, 0, 0] : i32 from vector<1x1x1xi32>
    %lt3A = arith.constant 1073741824 : i32
    %lt3A_8 = arith.cmpi slt, %reduce_max3A_7, %lt3A : i32
    %not3A = arith.constant true
    %not3A_9 = arith.xori %lt3A_8, %not3A : i1
    %convert_element_type3A_10 = arith.extui %not3A_9 : i1 to i32
    %cond3A_11 = arith.constant 0 : i32
    %cond3A_12 = arith.cmpi ne, %convert_element_type3A_10, %cond3A_11 : i32
    scf.if %cond3A_12 {
      %mul3A = arith.constant 1024 : i32
      %mul3A_18 = arith.muli %arg1, %mul3A : i32
      %get3A_19 = arith.constant 0 : index
      %get3A_20 = arith.constant 0 : index
      %get3A_21 = vector.load %arg2[%get3A_19, %get3A_20] : memref<256x3xf32, #tpu.memory_space<vmem>>, vector<256x1xf32>
      %get3A_22 = arith.constant 0 : index
      %get3A_23 = arith.constant 0 : index
      %get3A_24 = vector.load %arg3[%get3A_22, %get3A_23] : memref<3x1024xf32, #tpu.memory_space<vmem>>, vector<1x1024xf32>
      %sub3A = vector.broadcast %get3A_21 : vector<256x1xf32> to vector<256x1024xf32>
      %sub3A_25 = vector.broadcast %get3A_24 : vector<1x1024xf32> to vector<256x1024xf32>
      %sub3A_26 = arith.subf %sub3A, %sub3A_25 : vector<256x1024xf32>
      %get3A_27 = arith.constant 0 : index
      %get3A_28 = arith.constant 2 : index
      %get3A_29 = vector.load %arg2[%get3A_27, %get3A_28] : memref<256x3xf32, #tpu.memory_space<vmem>>, vector<256x1xf32>
      %get3A_30 = arith.constant 2 : index
      %get3A_31 = arith.constant 0 : index
      %get3A_32 = vector.load %arg3[%get3A_30, %get3A_31] : memref<3x1024xf32, #tpu.memory_space<vmem>>, vector<1x1024xf32>
      %sub3A_33 = vector.broadcast %get3A_29 : vector<256x1xf32> to vector<256x1024xf32>
      %sub3A_34 = vector.broadcast %get3A_32 : vector<1x1024xf32> to vector<256x1024xf32>
      %sub3A_35 = arith.subf %sub3A_33, %sub3A_34 : vector<256x1024xf32>
      %mul3A_36 = arith.mulf %sub3A_26, %sub3A_26 : vector<256x1024xf32>
      %mul3A_37 = arith.mulf %sub3A_35, %sub3A_35 : vector<256x1024xf32>
      %add3A = arith.addf %mul3A_36, %mul3A_37 : vector<256x1024xf32>
      %get3A_38 = arith.constant 0 : index
      %get3A_39 = arith.constant 1 : index
      %get3A_40 = vector.load %arg2[%get3A_38, %get3A_39] : memref<256x3xf32, #tpu.memory_space<vmem>>, vector<256x1xf32>
      %get3A_41 = arith.constant 1 : index
      %get3A_42 = arith.constant 0 : index
      %get3A_43 = vector.load %arg3[%get3A_41, %get3A_42] : memref<3x1024xf32, #tpu.memory_space<vmem>>, vector<1x1024xf32>
      %sub3A_44 = vector.broadcast %get3A_40 : vector<256x1xf32> to vector<256x1024xf32>
      %sub3A_45 = vector.broadcast %get3A_43 : vector<1x1024xf32> to vector<256x1024xf32>
      %sub3A_46 = arith.subf %sub3A_44, %sub3A_45 : vector<256x1024xf32>
      %mul3A_47 = arith.mulf %sub3A_46, %sub3A_46 : vector<256x1024xf32>
      %add3A_48 = arith.addf %add3A, %mul3A_47 : vector<256x1024xf32>
      %le3A = arith.constant 4.000000e-02 : f32
      %le3A_49 = vector.broadcast %le3A : f32 to vector<256x1024xf32>
      %le3A_50 = arith.cmpf ole, %add3A_48, %le3A_49 : vector<256x1024xf32>
      %iota3A = tpu.iota {dimensions = array<i32: 1>} : vector<1x1024xi32>
      %add3A_51 = vector.broadcast %mul3A_18 : i32 to vector<1x1024xi32>
      %add3A_52 = arith.addi %add3A_51, %iota3A : vector<1x1024xi32>
      %jit3A = arith.constant 1073741824 : i32
      %broadcast_in_dim3A = vector.shape_cast %add3A_52 : vector<1x1024xi32> to vector<1x1024xi32>
      %broadcast_in_dim3A_53 = vector.broadcast %broadcast_in_dim3A : vector<1x1024xi32> to vector<256x1024xi32>
      %broadcast_in_dim3A_54 = vector.broadcast %jit3A : i32 to vector<256x1024xi32>
      %select_n3A = arith.select %le3A_50, %broadcast_in_dim3A_53, %broadcast_in_dim3A_54 : vector<256x1024xi1>, vector<256x1024xi32>
      %iota3A_55 = tpu.iota {dimensions = array<i32: 1>} : vector<1x16xi32>
      %get3A_56 = arith.constant 0 : index
      %get3A_57 = arith.constant 0 : index
      %get3A_58 = vector.load %arg4[%get3A_56, %get3A_57] : memref<256x16xi32, #tpu.memory_space<vmem>>, vector<256x16xi32>
      %broadcast_in_dim3A_59 = arith.constant -1 : i32
      %broadcast_in_dim3A_60 = vector.broadcast %broadcast_in_dim3A_59 : i32 to vector<256x1xi32>
      %scan3A = arith.constant 0 : i32
      %scan3A_61 = arith.constant 16 : i32
      %scan3A_62 = arith.addi %scan3A, %scan3A_61 : i32
      %scan3A_63 = arith.constant 1 : i32
      %scan3A_64:2 = scf.for %scan3A_68 = %scan3A to %scan3A_62 step %scan3A_63 iter_args(%scan3A_69 = %get3A_58, %scan3A_70 = %broadcast_in_dim3A_60) -> (vector<256x16xi32>, vector<256x1xi32>)  : i32 {
        %gt3A = vector.broadcast %scan3A_70 : vector<256x1xi32> to vector<256x1024xi32>
        %gt3A_71 = arith.cmpi sgt, %select_n3A, %gt3A : vector<256x1024xi32>
        %jit3A_72 = arith.constant 1073741824 : i32
        %broadcast_in_dim3A_73 = vector.broadcast %jit3A_72 : i32 to vector<256x1024xi32>
        %select_n3A_74 = arith.select %gt3A_71, %select_n3A, %broadcast_in_dim3A_73 : vector<256x1024xi1>, vector<256x1024xi32>
        %reduce_min3A = arith.constant dense<2147483647> : vector<256xi32>
        %reduce_min3A_75 = vector.multi_reduction <minsi>, %select_n3A_74, %reduce_min3A [1] : vector<256x1024xi32> to vector<256xi32>
        %broadcast_in_dim3A_76 = vector.shape_cast %reduce_min3A_75 : vector<256xi32> to vector<256x1xi32>
        %eq3A_77 = vector.broadcast %scan3A_68 : i32 to vector<1x16xi32>
        %eq3A_78 = arith.cmpi eq, %iota3A_55, %eq3A_77 : vector<1x16xi32>
        %eq3A_79 = arith.constant 1073741824 : i32
        %eq3A_80 = vector.broadcast %eq3A_79 : i32 to vector<256x16xi32>
        %eq3A_81 = arith.cmpi eq, %scan3A_69, %eq3A_80 : vector<256x16xi32>
        %and3A = vector.broadcast %eq3A_78 : vector<1x16xi1> to vector<256x16xi1>
        %and3A_82 = arith.andi %and3A, %eq3A_81 : vector<256x16xi1>
        %broadcast_in_dim3A_83 = vector.shape_cast %broadcast_in_dim3A_76 : vector<256x1xi32> to vector<256x1xi32>
        %broadcast_in_dim3A_84 = vector.broadcast %broadcast_in_dim3A_83 : vector<256x1xi32> to vector<256x16xi32>
        %select_n3A_85 = arith.select %and3A_82, %broadcast_in_dim3A_84, %scan3A_69 : vector<256x16xi1>, vector<256x16xi32>
        %eq3A_86 = vector.broadcast %scan3A_68 : i32 to vector<1x16xi32>
        %eq3A_87 = arith.cmpi eq, %iota3A_55, %eq3A_86 : vector<1x16xi32>
        %jit3A_88 = arith.constant -1 : i32
        %broadcast_in_dim3A_89 = vector.shape_cast %eq3A_87 : vector<1x16xi1> to vector<1x16xi1>
        %broadcast_in_dim3A_90 = vector.broadcast %broadcast_in_dim3A_89 : vector<1x16xi1> to vector<256x16xi1>
        %broadcast_in_dim3A_91 = vector.broadcast %jit3A_88 : i32 to vector<256x16xi32>
        %select_n3A_92 = arith.select %broadcast_in_dim3A_90, %select_n3A_85, %broadcast_in_dim3A_91 : vector<256x16xi1>, vector<256x16xi32>
        %reduce_max3A_93 = arith.constant dense<-2147483648> : vector<256xi32>
        %reduce_max3A_94 = vector.multi_reduction <maxsi>, %select_n3A_92, %reduce_max3A_93 [1] : vector<256x16xi32> to vector<256xi32>
        %broadcast_in_dim3A_95 = vector.shape_cast %reduce_max3A_94 : vector<256xi32> to vector<256x1xi32>
        scf.yield %select_n3A_85, %broadcast_in_dim3A_95 : vector<256x16xi32>, vector<256x1xi32>
      }
      %scan3A_65 = arith.constant 16 : i32
      %swap3A = arith.constant 0 : index
      %swap3A_66 = arith.constant 0 : index
      %swap3A_67 = vector.load %arg4[%swap3A, %swap3A_66] : memref<256x16xi32, #tpu.memory_space<vmem>>, vector<256x16xi32>
      tpu.vector_store %arg4[%swap3A, %swap3A_66], %scan3A_64#0 {strides = array<i32>} : memref<256x16xi32, #tpu.memory_space<vmem>>, vector<256x16xi32>,
    } else {
    }
    %eq3A_13 = arith.constant 9 : i32
    %eq3A_14 = arith.cmpi eq, %arg1, %eq3A_13 : i32
    %convert_element_type3A_15 = arith.extui %eq3A_14 : i1 to i32
    %cond3A_16 = arith.constant 0 : i32
    %cond3A_17 = arith.cmpi ne, %convert_element_type3A_15, %cond3A_16 : i32
    scf.if %cond3A_17 {
      %get3A_18 = arith.constant 0 : index
      %get3A_19 = arith.constant 0 : index
      %get3A_20 = vector.load %arg4[%get3A_18, %get3A_19] : memref<256x16xi32, #tpu.memory_space<vmem>>, vector<256x16xi32>
      %lt3A_21 = arith.constant 10000 : i32
      %lt3A_22 = vector.broadcast %lt3A_21 : i32 to vector<256x16xi32>
      %lt3A_23 = arith.cmpi slt, %get3A_20, %lt3A_22 : vector<256x16xi32>
      %jit3A = arith.constant 0 : i32
      %broadcast_in_dim3A = vector.broadcast %jit3A : i32 to vector<256x16xi32>
      %select_n3A = arith.select %lt3A_23, %get3A_20, %broadcast_in_dim3A : vector<256x16xi1>, vector<256x16xi32>
      %swap3A = arith.constant 0 : index
      %swap3A_24 = arith.constant 0 : index
      %swap3A_25 = vector.load %arg4[%swap3A, %swap3A_24] : memref<256x16xi32, #tpu.memory_space<vmem>>, vector<256x16xi32>
      tpu.vector_store %arg4[%swap3A, %swap3A_24], %select_n3A {strides = array<i32>} : memref<256x16xi32, #tpu.memory_space<vmem>>, vector<256x16xi32>,
      %convert_element_type3A_26 = arith.extui %lt3A_23 : vector<256x16xi1> to vector<256x16xi32>
      %convert_element_type3A_27 = arith.sitofp %convert_element_type3A_26 : vector<256x16xi32> to vector<256x16xf32>
      %swap3A_28 = arith.constant 0 : index
      %swap3A_29 = arith.constant 0 : index
      %swap3A_30 = vector.load %arg5[%swap3A_28, %swap3A_29] : memref<256x16xf32, #tpu.memory_space<vmem>>, vector<256x16xf32>
      tpu.vector_store %arg5[%swap3A_28, %swap3A_29], %convert_element_type3A_27 {strides = array<i32>} : memref<256x16xf32, #tpu.memory_space<vmem>>, vector<256x16xf32>,
    } else {
    }
    return
  }
  func.func @transform_0(%arg0: i32, %arg1: i32) -> (i32, i32) {
    %c0_i32 = arith.constant 0 : i32
    %c0_i32_0 = arith.constant 0 : i32
    return %arg0, %c0_i32 : i32, i32
  }
  func.func @transform_1(%arg0: i32, %arg1: i32) -> (i32, i32) {
    %c0_i32 = arith.constant 0 : i32
    %c0_i32_0 = arith.constant 0 : i32
    return %c0_i32, %arg1 : i32, i32
  }
  func.func @transform_2(%arg0: i32, %arg1: i32) -> (i32, i32) {
    %c0_i32 = arith.constant 0 : i32
    %c0_i32_0 = arith.constant 0 : i32
    return %arg0, %c0_i32 : i32, i32
  }
  func.func @transform_3(%arg0: i32, %arg1: i32) -> (i32, i32) {
    %c0_i32 = arith.constant 0 : i32
    %c0_i32_0 = arith.constant 0 : i32
    return %arg0, %c0_i32 : i32, i32
  }
}

module attributes {stable_mosaic.version = 14 : i64} {
  func.func @_table_body(%arg0: i32, %arg1: memref<1000x128xf32, #tpu.memory_space<vmem>>, %arg2: memref<1000x3xf32, #tpu.memory_space<vmem>>, %arg3: memref<128x128xf32, #tpu.memory_space<vmem>>, %arg4: memref<3x128xf32, #tpu.memory_space<vmem>>, %arg5: memref<1000x128xf32, #tpu.memory_space<vmem>>) attributes {dimension_semantics = [#tpu.dimension_semantics<arbitrary>], iteration_bounds = array<i64: 10>, scalar_prefetch = 0 : i64, scratch_operands = 0 : i64, tpu.core_type = #tpu.core_type<tc>, window_params = [{transform_indices = @transform_0, window_bounds = array<i64: 1000, 128>}, {transform_indices = @transform_1, window_bounds = array<i64: 1000, 3>}, {pipeline_mode = #tpu.pipeline_mode<synchronous>, transform_indices = @transform_2, window_bounds = array<i64: 128, 128>}, {pipeline_mode = #tpu.pipeline_mode<synchronous>, transform_indices = @transform_3, window_bounds = array<i64: 3, 128>}, {transform_indices = @transform_4, window_bounds = array<i64: 1000, 128>}]} {
    %get3A = arith.constant 0 : index
    %get3A_0 = arith.constant 0 : index
    %get3A_1 = vector.load %arg1[%get3A, %get3A_0] : memref<1000x128xf32, #tpu.memory_space<vmem>>, vector<1000x128xf32>
    %get3A_2 = arith.constant 0 : index
    %get3A_3 = arith.constant 0 : index
    %get3A_4 = vector.load %arg3[%get3A_2, %get3A_3] : memref<128x128xf32, #tpu.memory_space<vmem>>, vector<128x128xf32>
    %dot_general3A = arith.constant dense<0.000000e+00> : vector<1000x128xf32>
    %dot_general3A_5 = tpu.matmul %get3A_1, %get3A_4, %dot_general3A {dimension_numbers = #tpu.dot_dimension_numbers<[1], [0], [0], [1], [0, 0, 1, 1], [], []>, transpose_lhs_hint = false} : vector<1000x128xf32>, vector<128x128xf32>, vector<1000x128xf32> -> vector<1000x128xf32>
    %get3A_6 = arith.constant 0 : index
    %get3A_7 = arith.constant 0 : index
    %get3A_8 = vector.load %arg2[%get3A_6, %get3A_7] : memref<1000x3xf32, #tpu.memory_space<vmem>>, vector<1000x3xf32>
    %slice3A = vector.extract_strided_slice %get3A_8 {offsets = [0, 0], sizes = [1000, 1], strides = [1, 1]} : vector<1000x3xf32> to vector<1000x1xf32>
    %get3A_9 = arith.constant 0 : index
    %get3A_10 = arith.constant 0 : index
    %get3A_11 = vector.load %arg4[%get3A_9, %get3A_10] : memref<3x128xf32, #tpu.memory_space<vmem>>, vector<1x128xf32>
    %mul3A = vector.broadcast %slice3A : vector<1000x1xf32> to vector<1000x128xf32>
    %mul3A_12 = vector.broadcast %get3A_11 : vector<1x128xf32> to vector<1000x128xf32>
    %mul3A_13 = arith.mulf %mul3A, %mul3A_12 : vector<1000x128xf32>
    %add3A = arith.addf %dot_general3A_5, %mul3A_13 : vector<1000x128xf32>
    %slice3A_14 = vector.extract_strided_slice %get3A_8 {offsets = [0, 1], sizes = [1000, 1], strides = [1, 1]} : vector<1000x3xf32> to vector<1000x1xf32>
    %get3A_15 = arith.constant 1 : index
    %get3A_16 = arith.constant 0 : index
    %get3A_17 = vector.load %arg4[%get3A_15, %get3A_16] : memref<3x128xf32, #tpu.memory_space<vmem>>, vector<1x128xf32>
    %mul3A_18 = vector.broadcast %slice3A_14 : vector<1000x1xf32> to vector<1000x128xf32>
    %mul3A_19 = vector.broadcast %get3A_17 : vector<1x128xf32> to vector<1000x128xf32>
    %mul3A_20 = arith.mulf %mul3A_18, %mul3A_19 : vector<1000x128xf32>
    %add3A_21 = arith.addf %add3A, %mul3A_20 : vector<1000x128xf32>
    %slice3A_22 = vector.extract_strided_slice %get3A_8 {offsets = [0, 2], sizes = [1000, 1], strides = [1, 1]} : vector<1000x3xf32> to vector<1000x1xf32>
    %get3A_23 = arith.constant 2 : index
    %get3A_24 = arith.constant 0 : index
    %get3A_25 = vector.load %arg4[%get3A_23, %get3A_24] : memref<3x128xf32, #tpu.memory_space<vmem>>, vector<1x128xf32>
    %mul3A_26 = vector.broadcast %slice3A_22 : vector<1000x1xf32> to vector<1000x128xf32>
    %mul3A_27 = vector.broadcast %get3A_25 : vector<1x128xf32> to vector<1000x128xf32>
    %mul3A_28 = arith.mulf %mul3A_26, %mul3A_27 : vector<1000x128xf32>
    %add3A_29 = arith.addf %add3A_21, %mul3A_28 : vector<1000x128xf32>
    %swap3A = arith.constant 0 : index
    %swap3A_30 = arith.constant 0 : index
    %swap3A_31 = vector.load %arg5[%swap3A, %swap3A_30] : memref<1000x128xf32, #tpu.memory_space<vmem>>, vector<1000x128xf32>
    tpu.vector_store %arg5[%swap3A, %swap3A_30], %add3A_29 {strides = array<i32>} : memref<1000x128xf32, #tpu.memory_space<vmem>>, vector<1000x128xf32>,
    return
  }
  func.func @transform_0(%arg0: i32) -> (i32, i32) {
    %c0_i32 = arith.constant 0 : i32
    %c0_i32_0 = arith.constant 0 : i32
    return %arg0, %c0_i32 : i32, i32
  }
  func.func @transform_1(%arg0: i32) -> (i32, i32) {
    %c0_i32 = arith.constant 0 : i32
    %c0_i32_0 = arith.constant 0 : i32
    return %arg0, %c0_i32 : i32, i32
  }
  func.func @transform_2(%arg0: i32) -> (i32, i32) {
    %c0_i32 = arith.constant 0 : i32
    %c0_i32_0 = arith.constant 0 : i32
    %c0_i32_1 = arith.constant 0 : i32
    return %c0_i32, %c0_i32_0 : i32, i32
  }
  func.func @transform_3(%arg0: i32) -> (i32, i32) {
    %c0_i32 = arith.constant 0 : i32
    %c0_i32_0 = arith.constant 0 : i32
    %c0_i32_1 = arith.constant 0 : i32
    return %c0_i32, %c0_i32_0 : i32, i32
  }
  func.func @transform_4(%arg0: i32) -> (i32, i32) {
    %c0_i32 = arith.constant 0 : i32
    %c0_i32_0 = arith.constant 0 : i32
    return %arg0, %c0_i32 : i32, i32
  }
}

module attributes {stable_mosaic.version = 14 : i64} {
  func.func @_mlp_body(%arg0: i32, %arg1: i32, %arg2: memref<1000x128xf32, #tpu.memory_space<vmem>>, %arg3: memref<1000x128xf32, #tpu.memory_space<vmem>>, %arg4: memref<1000x3xf32, #tpu.memory_space<vmem>>, %arg5: memref<1000x16xf32, #tpu.memory_space<vmem>>, %arg6: memref<3x128xf32, #tpu.memory_space<vmem>>, %arg7: memref<1x128xf32, #tpu.memory_space<vmem>>, %arg8: memref<128x256xf32, #tpu.memory_space<vmem>>, %arg9: memref<1x256xf32, #tpu.memory_space<vmem>>, %arg10: memref<1000x256xf32, #tpu.memory_space<vmem>>) attributes {dimension_semantics = [#tpu.dimension_semantics<arbitrary>, #tpu.dimension_semantics<arbitrary>], iteration_bounds = array<i64: 5, 16>, scalar_prefetch = 0 : i64, scratch_operands = 0 : i64, tpu.core_type = #tpu.core_type<tc>, window_params = [{transform_indices = @transform_0, window_bounds = array<i64: 1000, 128>}, {transform_indices = @transform_1, window_bounds = array<i64: 1000, 128>}, {transform_indices = @transform_2, window_bounds = array<i64: 1000, 3>}, {transform_indices = @transform_3, window_bounds = array<i64: 1000, 16>}, {pipeline_mode = #tpu.pipeline_mode<synchronous>, transform_indices = @transform_4, window_bounds = array<i64: 3, 128>}, {pipeline_mode = #tpu.pipeline_mode<synchronous>, transform_indices = @transform_5, window_bounds = array<i64: 1, 128>}, {pipeline_mode = #tpu.pipeline_mode<synchronous>, transform_indices = @transform_6, window_bounds = array<i64: 128, 256>}, {pipeline_mode = #tpu.pipeline_mode<synchronous>, transform_indices = @transform_7, window_bounds = array<i64: 1, 256>}, {transform_indices = @transform_8, window_bounds = array<i64: 1000, 256>}]} {
    %get3A = arith.constant 0 : index
    %get3A_0 = arith.constant 0 : index
    %get3A_1 = vector.load %arg4[%get3A, %get3A_0] : memref<1000x3xf32, #tpu.memory_space<vmem>>, vector<1000x3xf32>
    %get3A_2 = arith.constant 0 : index
    %get3A_3 = arith.constant 0 : index
    %get3A_4 = vector.load %arg7[%get3A_2, %get3A_3] : memref<1x128xf32, #tpu.memory_space<vmem>>, vector<1x128xf32>
    %slice3A = vector.extract_strided_slice %get3A_1 {offsets = [0, 0], sizes = [1000, 1], strides = [1, 1]} : vector<1000x3xf32> to vector<1000x1xf32>
    %get3A_5 = arith.constant 0 : index
    %get3A_6 = arith.constant 0 : index
    %get3A_7 = vector.load %arg6[%get3A_5, %get3A_6] : memref<3x128xf32, #tpu.memory_space<vmem>>, vector<1x128xf32>
    %mul3A = vector.broadcast %slice3A : vector<1000x1xf32> to vector<1000x128xf32>
    %mul3A_8 = vector.broadcast %get3A_7 : vector<1x128xf32> to vector<1000x128xf32>
    %mul3A_9 = arith.mulf %mul3A, %mul3A_8 : vector<1000x128xf32>
    %slice3A_10 = vector.extract_strided_slice %get3A_1 {offsets = [0, 1], sizes = [1000, 1], strides = [1, 1]} : vector<1000x3xf32> to vector<1000x1xf32>
    %get3A_11 = arith.constant 1 : index
    %get3A_12 = arith.constant 0 : index
    %get3A_13 = vector.load %arg6[%get3A_11, %get3A_12] : memref<3x128xf32, #tpu.memory_space<vmem>>, vector<1x128xf32>
    %mul3A_14 = vector.broadcast %slice3A_10 : vector<1000x1xf32> to vector<1000x128xf32>
    %mul3A_15 = vector.broadcast %get3A_13 : vector<1x128xf32> to vector<1000x128xf32>
    %mul3A_16 = arith.mulf %mul3A_14, %mul3A_15 : vector<1000x128xf32>
    %add3A = arith.addf %mul3A_9, %mul3A_16 : vector<1000x128xf32>
    %slice3A_17 = vector.extract_strided_slice %get3A_1 {offsets = [0, 2], sizes = [1000, 1], strides = [1, 1]} : vector<1000x3xf32> to vector<1000x1xf32>
    %get3A_18 = arith.constant 2 : index
    %get3A_19 = arith.constant 0 : index
    %get3A_20 = vector.load %arg6[%get3A_18, %get3A_19] : memref<3x128xf32, #tpu.memory_space<vmem>>, vector<1x128xf32>
    %mul3A_21 = vector.broadcast %slice3A_17 : vector<1000x1xf32> to vector<1000x128xf32>
    %mul3A_22 = vector.broadcast %get3A_20 : vector<1x128xf32> to vector<1000x128xf32>
    %mul3A_23 = arith.mulf %mul3A_21, %mul3A_22 : vector<1000x128xf32>
    %add3A_24 = arith.addf %add3A, %mul3A_23 : vector<1000x128xf32>
    %sub3A = vector.broadcast %get3A_4 : vector<1x128xf32> to vector<1000x128xf32>
    %sub3A_25 = arith.subf %sub3A, %add3A_24 : vector<1000x128xf32>
    %get3A_26 = arith.constant 0 : index
    %get3A_27 = arith.constant 0 : index
    %get3A_28 = vector.load %arg2[%get3A_26, %get3A_27] : memref<1000x128xf32, #tpu.memory_space<vmem>>, vector<1000x128xf32>
    %add3A_29 = arith.addf %get3A_28, %sub3A_25 : vector<1000x128xf32>
    %max3A = arith.constant 0.000000e+00 : f32
    %max3A_30 = vector.broadcast %max3A : f32 to vector<1000x128xf32>
    %max3A_31 = arith.maximumf %add3A_29, %max3A_30 : vector<1000x128xf32>
    %get3A_32 = arith.constant 0 : index
    %get3A_33 = arith.constant 0 : index
    %get3A_34 = vector.load %arg8[%get3A_32, %get3A_33] : memref<128x256xf32, #tpu.memory_space<vmem>>, vector<128x256xf32>
    %dot_general3A = arith.constant dense<0.000000e+00> : vector<1000x256xf32>
    %dot_general3A_35 = tpu.matmul %max3A_31, %get3A_34, %dot_general3A {dimension_numbers = #tpu.dot_dimension_numbers<[1], [0], [0], [1], [0, 0, 1, 1], [], []>, transpose_lhs_hint = false} : vector<1000x128xf32>, vector<128x256xf32>, vector<1000x256xf32> -> vector<1000x256xf32>
    %get3A_36 = arith.constant 0 : index
    %get3A_37 = arith.constant 0 : index
    %get3A_38 = vector.load %arg9[%get3A_36, %get3A_37] : memref<1x256xf32, #tpu.memory_space<vmem>>, vector<1x256xf32>
    %add3A_39 = vector.broadcast %get3A_38 : vector<1x256xf32> to vector<1000x256xf32>
    %add3A_40 = arith.addf %dot_general3A_35, %add3A_39 : vector<1000x256xf32>
    %iota3A = tpu.iota {dimensions = array<i32: 1>} : vector<1x16xi32>
    %eq3A = vector.broadcast %arg1 : i32 to vector<1x16xi32>
    %eq3A_41 = arith.cmpi eq, %iota3A, %eq3A : vector<1x16xi32>
    %get3A_42 = arith.constant 0 : index
    %get3A_43 = arith.constant 0 : index
    %get3A_44 = vector.load %arg5[%get3A_42, %get3A_43] : memref<1000x16xf32, #tpu.memory_space<vmem>>, vector<1000x16xf32>
    %jit3A = arith.constant 0.000000e+00 : f32
    %broadcast_in_dim3A = vector.shape_cast %eq3A_41 : vector<1x16xi1> to vector<1x16xi1>
    %broadcast_in_dim3A_45 = vector.broadcast %broadcast_in_dim3A : vector<1x16xi1> to vector<1000x16xi1>
    %broadcast_in_dim3A_46 = vector.broadcast %jit3A : f32 to vector<1000x16xf32>
    %select_n3A = arith.select %broadcast_in_dim3A_45, %get3A_44, %broadcast_in_dim3A_46 : vector<1000x16xi1>, vector<1000x16xf32>
    %reduce_max3A = arith.constant dense<0xFF800000> : vector<1000xf32>
    %reduce_max3A_47 = vector.multi_reduction <maximumf>, %select_n3A, %reduce_max3A [1] : vector<1000x16xf32> to vector<1000xf32>
    %broadcast_in_dim3A_48 = vector.shape_cast %reduce_max3A_47 : vector<1000xf32> to vector<1000x1xf32>
    %gt3A = arith.constant 5.000000e-01 : f32
    %gt3A_49 = vector.broadcast %gt3A : f32 to vector<1000x1xf32>
    %gt3A_50 = arith.cmpf ogt, %broadcast_in_dim3A_48, %gt3A_49 : vector<1000x1xf32>
    %jit3A_51 = arith.constant 0xFF800000 : f32
    %broadcast_in_dim3A_52 = vector.shape_cast %gt3A_50 : vector<1000x1xi1> to vector<1000x1xi1>
    %broadcast_in_dim3A_53 = vector.broadcast %broadcast_in_dim3A_52 : vector<1000x1xi1> to vector<1000x256xi1>
    %broadcast_in_dim3A_54 = vector.broadcast %jit3A_51 : f32 to vector<1000x256xf32>
    %select_n3A_55 = arith.select %broadcast_in_dim3A_53, %add3A_40, %broadcast_in_dim3A_54 : vector<1000x256xi1>, vector<1000x256xf32>
    %eq3A_56 = arith.constant 0 : i32
    %eq3A_57 = arith.cmpi eq, %arg1, %eq3A_56 : i32
    %convert_element_type3A = arith.extui %eq3A_57 : i1 to i32
    %cond3A = arith.constant 0 : i32
    %cond3A_58 = arith.cmpi ne, %convert_element_type3A, %cond3A : i32
    scf.if %cond3A_58 {
      %get3A_63 = arith.constant 0 : index
      %get3A_64 = arith.constant 0 : index
      %get3A_65 = vector.load %arg3[%get3A_63, %get3A_64] : memref<1000x128xf32, #tpu.memory_space<vmem>>, vector<1000x128xf32>
      %add3A_66 = arith.addf %get3A_65, %sub3A_25 : vector<1000x128xf32>
      %max3A_67 = arith.constant 0.000000e+00 : f32
      %max3A_68 = vector.broadcast %max3A_67 : f32 to vector<1000x128xf32>
      %max3A_69 = arith.maximumf %add3A_66, %max3A_68 : vector<1000x128xf32>
      %get3A_70 = arith.constant 0 : index
      %get3A_71 = arith.constant 0 : index
      %get3A_72 = vector.load %arg8[%get3A_70, %get3A_71] : memref<128x256xf32, #tpu.memory_space<vmem>>, vector<128x256xf32>
      %dot_general3A_73 = arith.constant dense<0.000000e+00> : vector<1000x256xf32>
      %dot_general3A_74 = tpu.matmul %max3A_69, %get3A_72, %dot_general3A_73 {dimension_numbers = #tpu.dot_dimension_numbers<[1], [0], [0], [1], [0, 0, 1, 1], [], []>, transpose_lhs_hint = false} : vector<1000x128xf32>, vector<128x256xf32>, vector<1000x256xf32> -> vector<1000x256xf32>
      %get3A_75 = arith.constant 0 : index
      %get3A_76 = arith.constant 0 : index
      %get3A_77 = vector.load %arg9[%get3A_75, %get3A_76] : memref<1x256xf32, #tpu.memory_space<vmem>>, vector<1x256xf32>
      %add3A_78 = vector.broadcast %get3A_77 : vector<1x256xf32> to vector<1000x256xf32>
      %add3A_79 = arith.addf %dot_general3A_74, %add3A_78 : vector<1000x256xf32>
      %max3A_80 = arith.maximumf %add3A_79, %select_n3A_55 : vector<1000x256xf32>
      %swap3A = arith.constant 0 : index
      %swap3A_81 = arith.constant 0 : index
      %swap3A_82 = vector.load %arg10[%swap3A, %swap3A_81] : memref<1000x256xf32, #tpu.memory_space<vmem>>, vector<1000x256xf32>
      tpu.vector_store %arg10[%swap3A, %swap3A_81], %max3A_80 {strides = array<i32>} : memref<1000x256xf32, #tpu.memory_space<vmem>>, vector<1000x256xf32>,
    } else {
    }
    %ne3A = arith.constant 0 : i32
    %ne3A_59 = arith.cmpi ne, %arg1, %ne3A : i32
    %convert_element_type3A_60 = arith.extui %ne3A_59 : i1 to i32
    %cond3A_61 = arith.constant 0 : i32
    %cond3A_62 = arith.cmpi ne, %convert_element_type3A_60, %cond3A_61 : i32
    scf.if %cond3A_62 {
      %get3A_63 = arith.constant 0 : index
      %get3A_64 = arith.constant 0 : index
      %get3A_65 = vector.load %arg10[%get3A_63, %get3A_64] : memref<1000x256xf32, #tpu.memory_space<vmem>>, vector<1000x256xf32>
      %max3A_66 = arith.maximumf %get3A_65, %select_n3A_55 : vector<1000x256xf32>
      %swap3A = arith.constant 0 : index
      %swap3A_67 = arith.constant 0 : index
      %swap3A_68 = vector.load %arg10[%swap3A, %swap3A_67] : memref<1000x256xf32, #tpu.memory_space<vmem>>, vector<1000x256xf32>
      tpu.vector_store %arg10[%swap3A, %swap3A_67], %max3A_66 {strides = array<i32>} : memref<1000x256xf32, #tpu.memory_space<vmem>>, vector<1000x256xf32>,
    } else {
    }
    return
  }
  func.func @transform_0(%arg0: i32, %arg1: i32) -> (i32, i32) {
    %mul3A = arith.constant 5 : i32
    %mul3A_0 = arith.muli %arg1, %mul3A : i32
    %add3A = arith.addi %mul3A_0, %arg0 : i32
    %c0_i32 = arith.constant 0 : i32
    %c0_i32_1 = arith.constant 0 : i32
    return %add3A, %c0_i32 : i32, i32
  }
  func.func @transform_1(%arg0: i32, %arg1: i32) -> (i32, i32) {
    %c0_i32 = arith.constant 0 : i32
    %c0_i32_0 = arith.constant 0 : i32
    return %arg0, %c0_i32 : i32, i32
  }
  func.func @transform_2(%arg0: i32, %arg1: i32) -> (i32, i32) {
    %c0_i32 = arith.constant 0 : i32
    %c0_i32_0 = arith.constant 0 : i32
    return %arg0, %c0_i32 : i32, i32
  }
  func.func @transform_3(%arg0: i32, %arg1: i32) -> (i32, i32) {
    %c0_i32 = arith.constant 0 : i32
    %c0_i32_0 = arith.constant 0 : i32
    return %arg0, %c0_i32 : i32, i32
  }
  func.func @transform_4(%arg0: i32, %arg1: i32) -> (i32, i32) {
    %c0_i32 = arith.constant 0 : i32
    %c0_i32_0 = arith.constant 0 : i32
    %c0_i32_1 = arith.constant 0 : i32
    return %c0_i32, %c0_i32_0 : i32, i32
  }
  func.func @transform_5(%arg0: i32, %arg1: i32) -> (i32, i32) {
    %c0_i32 = arith.constant 0 : i32
    %c0_i32_0 = arith.constant 0 : i32
    %c0_i32_1 = arith.constant 0 : i32
    return %c0_i32, %c0_i32_0 : i32, i32
  }
  func.func @transform_6(%arg0: i32, %arg1: i32) -> (i32, i32) {
    %c0_i32 = arith.constant 0 : i32
    %c0_i32_0 = arith.constant 0 : i32
    %c0_i32_1 = arith.constant 0 : i32
    return %c0_i32, %c0_i32_0 : i32, i32
  }
  func.func @transform_7(%arg0: i32, %arg1: i32) -> (i32, i32) {
    %c0_i32 = arith.constant 0 : i32
    %c0_i32_0 = arith.constant 0 : i32
    %c0_i32_1 = arith.constant 0 : i32
    return %c0_i32, %c0_i32_0 : i32, i32
  }
  func.func @transform_8(%arg0: i32, %arg1: i32) -> (i32, i32) {
    %c0_i32 = arith.constant 0 : i32
    %c0_i32_0 = arith.constant 0 : i32
    return %arg0, %c0_i32 : i32, i32
  }
}

</mosaic_0001>

<sc_bundles>
// kernel: gather_offload_async_start
scs
__scs_entry_jumppad:
0x0: {  	(pc) =	sbr.rel $0x88, $3  }
0x1: {  	(tag) =	ssettag $0x0;
	lr =	simm.s32 $0x1  }
0x2: {  	[smem:$0x3F99] =	sst lr;
	_ =	strace $0xD0000000  }
0x3: {  	_ = 	snop  }
0x4: {  	_ = 	snop  }
0x5: {  	_ = 	snop  }
0x6: {  	_ = 	snop  }
0x7: {  	_ = 	snop  }
__scs_overlays_trampoline_lowered:
0x8: {  	[smem:$0x3FA8] =	sst s0  }
0x9: {  	[smem:$0x3FA9] =	sst s1  }
0xa: {  	[smem:$0x3FAA] =	sst s2  }
0xb: {  	[smem:$0x3FAB] =	sst s3  }
0xc: {  	[smem:$0x3FAC] =	sst s4  }
0xd: {  	[smem:$0x3FAD] =	sst s5  }
0xe: {  	[smem:$0x3FAE] =	sst s6  }
0xf: {  	[smem:$0x3FAF] =	sst s7  }
0x10: {  	[smem:$0x3FB0] =	sst s8  }
0x11: {  	[smem:$0x3FB1] =	sst s9;
	s0 =	simm.s32 @!p0 $0x0  }
0x12: {  	s1 =	sld [smem:$0x3F97];
	s0 =	simm.s32 @p0 $0x1  }
0x13: {  	[smem:$0x3FB2] =	sst s0;
	s0 =	simm.s32 @!p1 $0x0  }
0x14: {  	s2 =	sld [smem:$0x3F96];
	s0 =	simm.s32 @p1 $0x1  }
0x15: {  	[smem:$0x3FB3] =	sst s0;
	s0 =	simm.s32 @!p2 $0x0  }
0x16: {  	s3 =	sld [smem:$0x3FDB];
	s0 =	simm.s32 @p2 $0x1  }
0x17: {  	s4 =	simm.s32 $0x1BF5;
	[smem:$0x3FB5] =	sst s0  }
0x18: {  	s0 =	sld [smem:$0x3F98];
	_ =	swait.ge [sflag:s4], $0x0  }
0x19: {  	s7 =	sld [smem:$0x3F99]  }
0x1a: {  	s8 =	sadd.s32 $0xFFFFE003, lr  }
0x1b: {  	s9 =	sadd.s32 $0xFFFFFEF7, lr;
	s5 =	simm.s32 $0xFFFFFFFF;
	p2 =	slt.u32 s8, $0xFFFFF086  }
0x1c: {  	p1 =	slt.u32 s9, $0xF7A;
	s5 =	simm.s32 @!p2 $0x0  }
0x1d: {  	s5 =	simm.s32 @p1 $0x1;
	p0 =	seq.s32 s7, s2  }
0x1e: {  	s7 =	smul.u32 @!p0 $0xF7A, s2;
	p2 =	seq.s32 @!p0 s5, $0x0  }
0x1f: {  	s9 =	smul.u32 $0xF7A, s1;
	s8 =	simm.s32 @!p0 $0x1BF5;
	p2 =	por !p2, p0  }
0x20: {  	[sflag:s8] =	ssyncset.s32 @!p0 $0xFFFFF086;
	s6 =	sadd.s32 @!p0 s3, s7;
	s7 =	simm.s32 @!p0 $0x108  }
0x21: {  	s3 =	sadd.s32 s3, s9;
	s6 =	sadd.s32 @!p0 $0x88, s6;
	s7 =	simm.s32 @p2 $0x1082  }
0x22: {  	[simem:s7], [sflag:s8] =	dma.local @!p0 [hbm:s6], $0xF7A  }
0x23: {  	s9 =	sor.u32 $0xD0000000, s2;
	s6 =	simm.s32 $0x108;
	_ =	swait.ge @!p0 [sflag:s8], $0x0  }
0x24: {  	s3 =	sadd.s32 $0x88, s3;
	s6 =	simm.s32 @!p1 $0x1082;
	[sflag:s4] =	ssyncset.s32 $0xFFFFF086  }
0x25: {  	[simem:s6], [sflag:s4] =	dma.local [hbm:s3], $0xF7A  }
0x26: {  	[smem:$0x3F99] =	sst s1;
	(tag) =	ssettag s2;
	_ =	strace s9  }
0x27: {  	s1 =	sld [smem:$0x3FA9]  }
0x28: {  	s2 =	sld [smem:$0x3FAA]  }
0x29: {  	s4 =	sld [smem:$0x3FAC]  }
0x2a: {  	p0 =	seq.s32 s5, $0x0;
	s5 =	sld [smem:$0x3FAD]  }
0x2b: {  	s6 =	sld [smem:$0x3FAE]  }
0x2c: {  	s7 =	sld [smem:$0x3FAF]  }
0x2d: {  	s3 =	simm.s32 $0x108;
	s8 =	sld [smem:$0x3FB0]  }
0x2e: {  	s3 =	simm.s32 @!p0 $0x1082;
	s9 =	sld [smem:$0x3FB1]  }
0x2f: {  	lr =	sadd.s32 s0, s3;
	s0 =	sld [smem:$0x3FA8]  }
0x30: {  	s3 =	sld [smem:$0x3FAB]  }
0x31: {  	[smem:$0x3FB4] =	sst s10  }
0x32: {  	s10 =	sld [smem:$0x3FB2];
	_ =	sdelay $0x3  }
0x33: {  	p0 =	seq.s32 s10, $0x1;
	s10 =	sld [smem:$0x3FB4];
	_ =	sdelay $0x3  }
0x34: {  	[smem:$0x3FB4] =	sst s10  }
0x35: {  	s10 =	sld [smem:$0x3FB3];
	_ =	sdelay $0x3  }
0x36: {  	p1 =	seq.s32 s10, $0x1;
	s10 =	sld [smem:$0x3FB4];
	_ =	sdelay $0x3  }
0x37: {  	[smem:$0x3FB4] =	sst s10  }
0x38: {  	s10 =	sld [smem:$0x3FB5]  }
0x39: {  	_ = 	snop;
	(pc) =	sbr.ind lr, $3  }
0x3a: {  	_ = 	snop  }
0x3b: {  	_ = 	snop  }
0x3c: {  	p2 =	seq.s32 s10, $0x1;
	s10 =	sld [smem:$0x3FB4]  }
0x3d: {  	_ =	shalt  }
0x3e: {  	_ =	shalt  }
0x3f: {  	_ =	shalt  }
0x40: {  	_ =	shalt  }
0x41: {  	_ =	shalt  }
0x42: {  	_ =	shalt  }
0x43: {  	_ =	shalt  }
0x44: {  	_ =	shalt  }
0x45: {  	_ =	shalt  }
0x46: {  	_ =	shalt  }
0x47: {  	_ =	shalt  }
0x48: {  	_ =	shalt  }
0x49: {  	_ =	shalt  }
0x4a: {  	_ =	shalt  }
0x4b: {  	_ =	shalt  }
0x4c: {  	_ =	shalt  }
0x4d: {  	_ =	shalt  }
0x4e: {  	_ =	shalt  }
0x4f: {  	_ =	shalt  }
0x50: {  	_ =	shalt  }
0x51: {  	_ =	shalt  }
0x52: {  	_ =	shalt  }
0x53: {  	_ =	shalt  }
0x54: {  	_ =	shalt  }
0x55: {  	_ =	shalt  }
0x56: {  	_ =	shalt  }
0x57: {  	_ =	shalt  }
0x58: {  	_ =	shalt  }
0x59: {  	_ =	shalt  }
0x5a: {  	_ =	shalt  }
0x5b: {  	_ =	shalt  }
0x5c: {  	_ =	shalt  }
0x5d: {  	_ =	shalt  }
0x5e: {  	_ =	shalt  }
0x5f: {  	_ =	shalt  }
0x60: {  	_ =	shalt  }
0x61: {  	_ =	shalt  }
0x62: {  	_ =	shalt  }
0x63: {  	_ =	shalt  }
0x64: {  	_ =	shalt  }
0x65: {  	_ =	shalt  }
0x66: {  	_ =	shalt  }
0x67: {  	_ =	shalt  }
0x68: {  	_ =	shalt  }
0x69: {  	_ =	shalt  }
0x6a: {  	_ =	shalt  }
0x6b: {  	_ =	shalt  }
0x6c: {  	_ =	shalt  }
0x6d: {  	_ =	shalt  }
0x6e: {  	_ =	shalt  }
0x6f: {  	_ =	shalt  }
0x70: {  	_ =	shalt  }
0x71: {  	_ =	shalt  }
0x72: {  	_ =	shalt  }
0x73: {  	_ =	shalt  }
0x74: {  	_ =	shalt  }
0x75: {  	_ =	shalt  }
0x76: {  	_ =	shalt  }
0x77: {  	_ =	shalt  }
0x78: {  	_ =	shalt  }
0x79: {  	_ =	shalt  }
0x7a: {  	_ =	shalt  }
0x7b: {  	_ =	shalt  }
0x7c: {  	_ =	shalt  }
0x7d: {  	_ =	shalt  }
0x7e: {  	_ =	shalt  }
0x7f: {  	_ =	shalt  }
0x80: {  	_ =	shalt  }
0x81: {  	_ =	shalt  }
0x82: {  	_ =	shalt  }
0x83: {  	_ =	shalt  }
0x84: {  	_ =	shalt  }
0x85: {  	_ =	shalt  }
0x86: {  	_ =	shalt  }
0x87: {  	_ =	shalt  }
.Lfunc_end0:
.L_simem_size_0:
called_computation_lowered:
.L_overlay_start_0:
0x88: {  	s0 =	sld [smem:$0x3FD9]  }
0x89: {  	s1 =	sld [smem:$0x3FFE];
	_ =	sdelay $0x3  }
0x8a: {  	s0 =	sadd.s32 s1, s0  }
0x8b: {  	[smem:$0x3FC0] =	sst s0  }
0x8c: {  	_ = 	snop  }
0x8d: {  	s0 =	sld [smem:$0x3FD0];
	_ =	sdelay $0x2  }
0x8e: {  	s2 =	simm.s32 $0xB;
	s3 =	simm.s32 $0x10;
	s13 =	sld [smem:$0x3FC7]  }
0x8f: {  	[smem:s3], [sflag:s2] =	dma.local [hbm:s0], $0x1  }
0x90: {  	_ =	swait.eq [sflag:s2], $0x1  }
0x91: {  	[sflag:s2] =	ssyncset.done $0x0  }
0x92: {  	[sflag:s2] =	ssyncadd.s32 $0xFFFFFFFF  }
0x93: {  	s14 =	sld [smem:$0x12];
	(tm) =	ssettm $0x1  }
0x94: {  	s15 =	sld [smem:$0x3FFB];
	_ =	sdelay $0x3  }
0x95: {  	_ =	strace s15  }
0x96: {  	s2 =	sld [smem:$0x3FFC];
	_ =	sdelay $0x3  }
0x97: {  	_ =	strace s2  }
0x98: {  	s2 =	sld [smem:$0x3FFD];
	_ =	sdelay $0x3  }
0x99: {  	_ =	strace s2  }
0x9a: {  	_ =	strace $0x8FFFFFFF  }
0x9b: {  	s16 =	sld [smem:$0x3FDB];
	_ =	sdelay $0x1  }
0x9c: {  	s17 =	simm.s32 $_scs_section_size  }
0x9d: {  	s4 =	simm.s32 $_size__tile_overlayer_lowered;
	s5 =	simm.s32 $_tile_overlayer_lowered  }
0x9e: {  	s20 =	simm.s32 $0x1BFF;
	s19 =	sshll.u32 s5, $0x1;
	s2 =	sadd.s32 s17, s16  }
0x9f: {  	s6 =	simm.s32 $0x0;
	s18 =	sshll.u32 s4, $0x1;
	s4 =	sadd.s32 s19, s2  }
0xa0: {  	[timem:s6], [sflag:s20] =	dma.local [hbm:s4], s18  }
0xa1: {  	_ =	swait.ge [sflag:s20], s18  }
0xa2: {  	s3 =	ssub.s32 $0x0, s18;
	[sflag:s20] =	ssyncset.done $0x0  }
0xa3: {  	[sflag:s20] =	ssyncadd.s32 s3;
	_ =	sdelay $0x1  }
0xa4: {  	s21 =	simm.s32 $0x1B8B  }
0xa5: {  	_ =	swait.ge [sflag:s21], $0x1  }
0xa6: {  	[sflag:s21] =	ssyncset.done $0x0  }
0xa7: {  	s23 =	simm.s32 $0x1B8E;
	s22 =	sld [smem:$0x3FFE];
	[sflag:s21] =	ssyncadd.s32 $0xFFFFFFFF  }
0xa8: {  	s24 =	simm.s32 $execute0_lowered;
	[smem:$0x3FD2] =	sst s23  }
0xa9: {  	s4 =	sshll.u32 s24, $0x1;
	_ =	strace $0x80000049;
	[dreg:$0x1] =	wrdreg $0xFFFFFFFF  }
0xaa: {  	s25 =	simm.s32 $_size_execute0_lowered;
	s2 =	sadd.s32 s2, s4;
	[dreg:$0x0] =	wrdreg $0x0  }
0xab: {  	s4 =	sshll.u32 s25, $0x1;
	[dreg:$0x2] =	wrdreg s2  }
0xac: {  	[dreg:$0x3] =	wrdreg s4  }
0xad: {  	[dreg:$0x4] =	wrdreg $0xC0  }
0xae: {  	_ =	task [dreg:s6], $0x5FFFF  }
0xaf: {  	[dreg:$0x1] =	wrdreg $0xFFFFFFFF  }
0xb0: {  	[dreg:$0x0] =	wrdreg $0x60  }
0xb1: {  	[dreg:$0x2] =	wrdreg s13  }
0xb2: {  	[dreg:$0x3] =	wrdreg s22  }
0xb3: {  	[dreg:$0x4] =	wrdreg s14  }
0xb4: {  	[dreg:$0x5] =	wrdreg $0x9  }
0xb5: {  	_ =	task.clear_ibuf [dreg:s6], $0x6FFFF;
	_ =	strace $0x90000049  }
0xb6: {  	s26 =	simm.s32 $0x9;
	_ =	strace $0x8000004B  }
0xb7: {  	_ =	swait.ge [sflag:s26], $0x1  }
0xb8: {  	[sflag:s26] =	ssyncadd.s32 $0xFFFFFFFF  }
0xb9: {  	_ =	strace $0x9000004B  }
0xba: {  	_ =	sfence  }
0xbb: {  	s28 =	sld [smem:$0x0];
	_ =	sdelay $0x1  }
0xbc: {  	s29 =	srdreg.scid  }
0xbd: {  	s30 =	sshll.u32 s29, $0xD;
	s31 =	sshrl.u32 s29, $0x2  }
0xbe: {  	s1 =	sand.u32 $0x1, s29;
	s2 =	sand.u32 $0x4000, s30;
	s0 =	sadd.s32 s31, s28  }
0xbf: {  	s1 =	sor.u32 s2, s1;
	s0 =	sshll.u32 s0, $0x11  }
0xc0: {  	s0 =	sor.u32 s0, s1  }
0xc1: {  	s0 =	sadd.s32 $0x8F2B, s0  }
0xc2: {  	[sflag:s0] =	ssyncadd.remote.s32 $0x1  }
0xc3: {  	_ =	sfence.sel $0xFFFF  }
0xc4: {  	[dreg:$0x0] =	wrdreg $0xFFFFFFFF;
	(pc) =	sbr.abs _section_cstart, $3  }
0xc5: {  	[dreg:$0x1] =	wrdreg $0xFFFFFFFF  }
0xc6: {  	_ =	task.clear_ibuf [dreg:s6], $0x2FFFF;
	_ =	strace $0x9FFFFFFF  }
0xc7: {  	(tm) =	ssettm $0x7FFFFFFF  }
tec
execute0_lowered:
.L_overlay_start_1:
0x0: {  	(tag) =	ssettag $0x1  }
0x1: {  	s2 =	rddreg [dreg:$0x0]  }
0x2: {  	s5 =	rddreg [dreg:$0x1]  }
0x3: {  	s3 =	rddreg [dreg:$0x2]  }
0x4: {  	s0 =	rddreg [dreg:$0x3];
	s1 =	stileid.u32  }
0x5: {  	_ =	strace $0x8000004A;
	s6 =	simm.s32 $0x1;
	s8 =	simm.s32 $0x2  }
0x6: {  	s30 =	simm.s32 $0x3;
	s12 =	simm.s32 $0x0;
	s4 =	sshll.u32 s1, $0x4  }
0x7: {  	s9 =	simm.s32 $0x0;
	s10 =	simm.s32 $0x0;
	s7 =	ssub.s32 $0x1380, s4  }
0x8: {  	s5 =	sadd.s32 $0x145200, s5;
	[sflag:s6] =	ssyncpa.u1 $0x0;
	s6 =	sshrl.u32 s7, $0x8  }
0x9: {  	[sflag:s8] =	ssyncpa.u1 $0x0;
	s11 =	smov.u32 s4;
	s31 =	sshll.u32 s6, $0x4  }
0xa: {  	[sflag:s30] =	ssyncpa.u1 $0x0;
	s7 =	sadd.s32 $0x2, s6;
	s8 =	sadd.s32 $0x30, s31  }
.LBB2_1:
0xb: {  	p0 =	sgt.u32 s10, s6  }
0xc: {  	s13 =	sxor.u32 @!p0 $0xFFFFFFFF, s9;
	s14 =	sshrl.u32 @!p0 s11, $0x3  }
0xd: {  	s15 =	sand.u32 @!p0 $0x7, s11;
	s13 =	sand.u32 @!p0 $0x10, s13;
	s14 =	sadd.s32 @!p0 s5, s14  }
0xe: {  	[tilespmem:s13], [sflag:$0x2] =	stream.linear.gather @!p0 [hbm4b:s14+s15], $0x10, $0x38;
	[tilespmem:$0x40] =	vst v63  }
0xf: {  	p0 =	seq.s32 s9, $0x0  }
0x10: {  	p1 =	sge.u32 @!p0 s10, s7  }
0x11: {  	p0 =	por p1, p0  }
0x12: {  	s13 =	simm.s32 @!p0 $0x2  }
0x13: {  	_ =	swait.ge @!p0 [sflag:s13], $0x10  }
0x14: {  	[sflag:s13] =	ssyncset.done @!p0 $0x0  }
0x15: {  	[sflag:s13] =	ssyncadd.s32 @!p0 $0xFFFFFFF0;
	s13 =	sand.u32 @!p0 $0x10, s9  }
0x16: {  	(ifvalue) =	ssetifvalue @!p0 $0x7FFFFFFF;
	v0 =	vld.msk @!p0 [tilespmem:s13+$0x0 ss:$0x1], $0xffff;
	_ =	sdelay $0x4  }
0x17: {  	vm0 =	vgt.s32 @!p0 v0, $0x0  }
0x18: {  	v0 =	vnsel @!p0 vm0, $0x0, v0  }
0x19: {  	v0 =	vmin.u32 @!p0 v0, $0x270F;
	_ =	sdelay $0x3  }
0x1a: {  	s14 =	simm.s32 @!p0 $0x0;
	s13 =	sor.u32 @!p0 $0x20, s13;
	(ifvalue) =	ssetifvalue @!p0 $0x7FFFFFFF;
	vm0 =	vmmov @!p0 $0xffff  }
0x1b: {  	[tilespmem:s13], [sflag:$0x1] =	stream.indirect_vreg.gather @!p0 [hbm4b:s2+s14], $0x1, v0, vm0, $0x4038;
	[tilespmem:$0x40] =	vst v63  }
0x1c: {  	s14 =	simm.s32 @!p0 $0x1  }
0x1d: {  	_ =	swait.ge @!p0 [sflag:s14], $0x10  }
0x1e: {  	s15 =	sshrl.u32 @!p0 s12, $0x3;
	[sflag:s14] =	ssyncset.done @!p0 $0x0  }
0x1f: {  	s12 =	sand.u32 @!p0 $0x7, s12;
	[sflag:s14] =	ssyncadd.s32 @!p0 $0xFFFFFFF0;
	s14 =	sadd.s32 @!p0 s3, s15  }
0x20: {  	[hbm4b:s14+s12] =	stream.linear.scatter @!p0 [tilespmem:s13], [sflag:$0x3], $0x10, $0x38;
	[tilespmem:$0x40] =	vst v63  }
0x21: {  	s14 =	sadd.s32 $0x100, s11  }
0x22: {  	s9 =	sadd.s32 $0x10, s9;
	p1 =	sgt.s32 s14, $0x1387  }
0x23: {  	s14 =	smov.u32 @p1 s4;
	p1 =	sne.s32 s8, s9  }
.Ltmp0:
0x24: {  	p0 =	slt.u32 s10, $0x2;
	(pc) =	sbr.rel @p1 .LBB2_1-.Ltmp0, $4  }
0x25: {  	s13 =	simm.s32 @!p0 $0x3  }
0x26: {  	_ =	swait.ge @!p0 [sflag:s13], $0x10  }
0x27: {  	s12 =	smov.u32 s11;
	[sflag:s13] =	ssyncset.done @!p0 $0x0  }
0x28: {  	s10 =	sadd.s32 $0x1, s10;
	s11 =	smov.u32 s14;
	[sflag:s13] =	ssyncadd.s32 @!p0 $0xFFFFFFF0  }
0x29: {  	_ =	sfence.sel $0x180000  }
0x2a: {  	s2 =	simm.s32 $0x2;
	[bflag:$0x0] =	sbarrier.arrive $0xFFFF  }
0x2b: {  	s30 =	simm.s32 $0x3;
	[sflag:s2] =	ssyncpa.u1 $0x1  }
0x2c: {  	s31 =	simm.s32 $0x1;
	[sflag:s30] =	ssyncpa.u1 $0x1  }
0x2d: {  	[sflag:s31] =	ssyncpa.u1 $0x1  }
0x2e: {  	p0 =	sne.s32 s1, $0x0;
	_ =	strace $0x9000004A  }
0x2f: {  	s0 =	sadd.s32 @!p0 $0x100000, s0;
	[bflag:$0x2] =	sbarrier.arrive $0xFFFF  }
0x30: {  	[sflag:s0] =	ssyncadd.tile.s32 @!p0 $0x1;
	_ =	shalt  }
.Lfunc_end2:
_tile_overlayer_lowered:
.L_overlay_start_2:
0x31: {  	(tag) =	ssettag $0x2  }
0x32: {  	s0 =	rddreg [dreg:$0x0];
	s2 =	stileid.u32  }
0x33: {  	s1 =	rddreg [dreg:$0x1];
	p0 =	sne.s32 s2, $0x0  }
0x34: {  	s3 =	rddreg [dreg:$0x2];
	[bflag:$0x3] =	sbarrier.arrive $0xFFFF;
	s2 =	simm.s32 @!p0 $0x1C01  }
0x35: {  	[timem:s3], [sflag:s2] =	dma.local @!p0 [hbm:s0], s1  }
0x36: {  	s0 =	simm.s32 @!p0 $0x1  }
0x37: {  	_ =	swait.ge @!p0 [sflag:s0], s1  }
0x38: {  	s1 =	ssub.s32 @!p0 $0x0, s1;
	[sflag:s0] =	ssyncset.done @!p0 $0x0  }
0x39: {  	[sflag:s0] =	ssyncadd.s32 @!p0 s1  }
0x3a: {  	[bflag:$0x3] =	sbarrier.arrive $0xFFFF  }
0x3b: {  	_ =	shalt  }

// kernel: kernel.7.cloned.1.call-start
scs
__scs_entry_jumppad:
0x0: {  	(pc) =	sbr.rel $0x88, $3  }
0x1: {  	(tag) =	ssettag $0x0;
	lr =	simm.s32 $0x1  }
0x2: {  	[smem:$0x3F99] =	sst lr;
	_ =	strace $0xD0000000  }
0x3: {  	_ = 	snop  }
0x4: {  	_ = 	snop  }
0x5: {  	_ = 	snop  }
0x6: {  	_ = 	snop  }
0x7: {  	_ = 	snop  }
__scs_overlays_trampoline_lowered:
0x8: {  	[smem:$0x3FA8] =	sst s0  }
0x9: {  	[smem:$0x3FA9] =	sst s1  }
0xa: {  	[smem:$0x3FAA] =	sst s2  }
0xb: {  	[smem:$0x3FAB] =	sst s3  }
0xc: {  	[smem:$0x3FAC] =	sst s4  }
0xd: {  	[smem:$0x3FAD] =	sst s5  }
0xe: {  	[smem:$0x3FAE] =	sst s6  }
0xf: {  	[smem:$0x3FAF] =	sst s7  }
0x10: {  	[smem:$0x3FB0] =	sst s8  }
0x11: {  	[smem:$0x3FB1] =	sst s9;
	s0 =	simm.s32 @!p0 $0x0  }
0x12: {  	s1 =	sld [smem:$0x3F97];
	s0 =	simm.s32 @p0 $0x1  }
0x13: {  	[smem:$0x3FB2] =	sst s0;
	s0 =	simm.s32 @!p1 $0x0  }
0x14: {  	s2 =	sld [smem:$0x3F96];
	s0 =	simm.s32 @p1 $0x1  }
0x15: {  	[smem:$0x3FB3] =	sst s0;
	s0 =	simm.s32 @!p2 $0x0  }
0x16: {  	s3 =	sld [smem:$0x3FDB];
	s0 =	simm.s32 @p2 $0x1  }
0x17: {  	s4 =	simm.s32 $0x1BF5;
	[smem:$0x3FB5] =	sst s0  }
0x18: {  	s0 =	sld [smem:$0x3F98];
	_ =	swait.ge [sflag:s4], $0x0  }
0x19: {  	s7 =	sld [smem:$0x3F99]  }
0x1a: {  	s8 =	sadd.s32 $0xFFFFE003, lr  }
0x1b: {  	s9 =	sadd.s32 $0xFFFFFEF7, lr;
	s5 =	simm.s32 $0xFFFFFFFF;
	p2 =	slt.u32 s8, $0xFFFFF086  }
0x1c: {  	p1 =	slt.u32 s9, $0xF7A;
	s5 =	simm.s32 @!p2 $0x0  }
0x1d: {  	s5 =	simm.s32 @p1 $0x1;
	p0 =	seq.s32 s7, s2  }
0x1e: {  	s7 =	smul.u32 @!p0 $0xF7A, s2;
	p2 =	seq.s32 @!p0 s5, $0x0  }
0x1f: {  	s9 =	smul.u32 $0xF7A, s1;
	s8 =	simm.s32 @!p0 $0x1BF5;
	p2 =	por !p2, p0  }
0x20: {  	[sflag:s8] =	ssyncset.s32 @!p0 $0xFFFFF086;
	s6 =	sadd.s32 @!p0 s3, s7;
	s7 =	simm.s32 @!p0 $0x108  }
0x21: {  	s3 =	sadd.s32 s3, s9;
	s6 =	sadd.s32 @!p0 $0x88, s6;
	s7 =	simm.s32 @p2 $0x1082  }
0x22: {  	[simem:s7], [sflag:s8] =	dma.local @!p0 [hbm:s6], $0xF7A  }
0x23: {  	s9 =	sor.u32 $0xD0000000, s2;
	s6 =	simm.s32 $0x108;
	_ =	swait.ge @!p0 [sflag:s8], $0x0  }
0x24: {  	s3 =	sadd.s32 $0x88, s3;
	s6 =	simm.s32 @!p1 $0x1082;
	[sflag:s4] =	ssyncset.s32 $0xFFFFF086  }
0x25: {  	[simem:s6], [sflag:s4] =	dma.local [hbm:s3], $0xF7A  }
0x26: {  	[smem:$0x3F99] =	sst s1;
	(tag) =	ssettag s2;
	_ =	strace s9  }
0x27: {  	s1 =	sld [smem:$0x3FA9]  }
0x28: {  	s2 =	sld [smem:$0x3FAA]  }
0x29: {  	s4 =	sld [smem:$0x3FAC]  }
0x2a: {  	p0 =	seq.s32 s5, $0x0;
	s5 =	sld [smem:$0x3FAD]  }
0x2b: {  	s6 =	sld [smem:$0x3FAE]  }
0x2c: {  	s7 =	sld [smem:$0x3FAF]  }
0x2d: {  	s3 =	simm.s32 $0x108;
	s8 =	sld [smem:$0x3FB0]  }
0x2e: {  	s3 =	simm.s32 @!p0 $0x1082;
	s9 =	sld [smem:$0x3FB1]  }
0x2f: {  	lr =	sadd.s32 s0, s3;
	s0 =	sld [smem:$0x3FA8]  }
0x30: {  	s3 =	sld [smem:$0x3FAB]  }
0x31: {  	[smem:$0x3FB4] =	sst s10  }
0x32: {  	s10 =	sld [smem:$0x3FB2];
	_ =	sdelay $0x3  }
0x33: {  	p0 =	seq.s32 s10, $0x1;
	s10 =	sld [smem:$0x3FB4];
	_ =	sdelay $0x3  }
0x34: {  	[smem:$0x3FB4] =	sst s10  }
0x35: {  	s10 =	sld [smem:$0x3FB3];
	_ =	sdelay $0x3  }
0x36: {  	p1 =	seq.s32 s10, $0x1;
	s10 =	sld [smem:$0x3FB4];
	_ =	sdelay $0x3  }
0x37: {  	[smem:$0x3FB4] =	sst s10  }
0x38: {  	s10 =	sld [smem:$0x3FB5]  }
0x39: {  	_ = 	snop;
	(pc) =	sbr.ind lr, $3  }
0x3a: {  	_ = 	snop  }
0x3b: {  	_ = 	snop  }
0x3c: {  	p2 =	seq.s32 s10, $0x1;
	s10 =	sld [smem:$0x3FB4]  }
0x3d: {  	_ =	shalt  }
0x3e: {  	_ =	shalt  }
0x3f: {  	_ =	shalt  }
0x40: {  	_ =	shalt  }
0x41: {  	_ =	shalt  }
0x42: {  	_ =	shalt  }
0x43: {  	_ =	shalt  }
0x44: {  	_ =	shalt  }
0x45: {  	_ =	shalt  }
0x46: {  	_ =	shalt  }
0x47: {  	_ =	shalt  }
0x48: {  	_ =	shalt  }
0x49: {  	_ =	shalt  }
0x4a: {  	_ =	shalt  }
0x4b: {  	_ =	shalt  }
0x4c: {  	_ =	shalt  }
0x4d: {  	_ =	shalt  }
0x4e: {  	_ =	shalt  }
0x4f: {  	_ =	shalt  }
0x50: {  	_ =	shalt  }
0x51: {  	_ =	shalt  }
0x52: {  	_ =	shalt  }
0x53: {  	_ =	shalt  }
0x54: {  	_ =	shalt  }
0x55: {  	_ =	shalt  }
0x56: {  	_ =	shalt  }
0x57: {  	_ =	shalt  }
0x58: {  	_ =	shalt  }
0x59: {  	_ =	shalt  }
0x5a: {  	_ =	shalt  }
0x5b: {  	_ =	shalt  }
0x5c: {  	_ =	shalt  }
0x5d: {  	_ =	shalt  }
0x5e: {  	_ =	shalt  }
0x5f: {  	_ =	shalt  }
0x60: {  	_ =	shalt  }
0x61: {  	_ =	shalt  }
0x62: {  	_ =	shalt  }
0x63: {  	_ =	shalt  }
0x64: {  	_ =	shalt  }
0x65: {  	_ =	shalt  }
0x66: {  	_ =	shalt  }
0x67: {  	_ =	shalt  }
0x68: {  	_ =	shalt  }
0x69: {  	_ =	shalt  }
0x6a: {  	_ =	shalt  }
0x6b: {  	_ =	shalt  }
0x6c: {  	_ =	shalt  }
0x6d: {  	_ =	shalt  }
0x6e: {  	_ =	shalt  }
0x6f: {  	_ =	shalt  }
0x70: {  	_ =	shalt  }
0x71: {  	_ =	shalt  }
0x72: {  	_ =	shalt  }
0x73: {  	_ =	shalt  }
0x74: {  	_ =	shalt  }
0x75: {  	_ =	shalt  }
0x76: {  	_ =	shalt  }
0x77: {  	_ =	shalt  }
0x78: {  	_ =	shalt  }
0x79: {  	_ =	shalt  }
0x7a: {  	_ =	shalt  }
0x7b: {  	_ =	shalt  }
0x7c: {  	_ =	shalt  }
0x7d: {  	_ =	shalt  }
0x7e: {  	_ =	shalt  }
0x7f: {  	_ =	shalt  }
0x80: {  	_ =	shalt  }
0x81: {  	_ =	shalt  }
0x82: {  	_ =	shalt  }
0x83: {  	_ =	shalt  }
0x84: {  	_ =	shalt  }
0x85: {  	_ =	shalt  }
0x86: {  	_ =	shalt  }
0x87: {  	_ =	shalt  }
.Lfunc_end0:
.L_simem_size_0:
called_computation.1_lowered:
.L_overlay_start_0:
0x88: {  	s2 =	sld [smem:$0x3FD9]  }
0x89: {  	s3 =	sld [smem:$0x3FFE];
	_ =	sdelay $0x1  }
0x8a: {  	s1 =	srdreg.scid  }
0x8b: {  	s0 =	sand.u32 $0x1, s1  }
0x8c: {  	s14 =	sshll.u32 s0, $0xA;
	s2 =	sadd.s32 s3, s2  }
0x8d: {  	s2 =	sadd.s32 s2, s14  }
0x8e: {  	[smem:$0x3FC0] =	sst s2  }
0x8f: {  	_ = 	snop  }
0x90: {  	s2 =	sld [smem:$0x3FD0];
	_ =	sdelay $0x2  }
0x91: {  	s15 =	simm.s32 $0xB;
	s4 =	simm.s32 $0x10  }
0x92: {  	[smem:s4], [sflag:s15] =	dma.local [hbm:s2], $0x1  }
0x93: {  	_ =	swait.eq [sflag:s15], $0x1  }
0x94: {  	[sflag:s15] =	ssyncset.done $0x0  }
0x95: {  	[sflag:s15] =	ssyncadd.s32 $0xFFFFFFFF  }
0x96: {  	s16 =	sld [smem:$0x10];
	(tm) =	ssettm $0x1  }
0x97: {  	s17 =	sld [smem:$0x3FFB];
	_ =	sdelay $0x3  }
0x98: {  	_ =	strace s17  }
0x99: {  	s3 =	sld [smem:$0x3FFC];
	_ =	sdelay $0x3  }
0x9a: {  	_ =	strace s3  }
0x9b: {  	s3 =	sld [smem:$0x3FFD];
	_ =	sdelay $0x3  }
0x9c: {  	_ =	strace s3  }
0x9d: {  	_ =	strace $0x8FFFFFFF  }
0x9e: {  	s18 =	sld [smem:$0x3FDB];
	_ =	sdelay $0x1  }
0x9f: {  	s19 =	simm.s32 $_scs_section_size  }
0xa0: {  	s5 =	simm.s32 $_size__tile_overlayer_lowered;
	s6 =	simm.s32 $_tile_overlayer_lowered  }
0xa1: {  	s22 =	simm.s32 $0x1BFF;
	s21 =	sshll.u32 s6, $0x1;
	s3 =	sadd.s32 s19, s18  }
0xa2: {  	s7 =	simm.s32 $0x0;
	s20 =	sshll.u32 s5, $0x1;
	s5 =	sadd.s32 s21, s3  }
0xa3: {  	[timem:s7], [sflag:s22] =	dma.local [hbm:s5], s20  }
0xa4: {  	_ =	swait.ge [sflag:s22], s20  }
0xa5: {  	s4 =	ssub.s32 $0x0, s20;
	[sflag:s22] =	ssyncset.done $0x0  }
0xa6: {  	[sflag:s22] =	ssyncadd.s32 s4;
	_ =	sdelay $0x1  }
0xa7: {  	s23 =	simm.s32 $0x1B8B  }
0xa8: {  	_ =	swait.ge [sflag:s23], $0x1  }
0xa9: {  	[sflag:s23] =	ssyncset.done $0x0  }
0xaa: {  	s25 =	simm.s32 $0x1B8E;
	s24 =	sld [smem:$0x3FFE];
	[sflag:s23] =	ssyncadd.s32 $0xFFFFFFFF  }
0xab: {  	s26 =	simm.s32 $execute0_lowered;
	[smem:$0x3FD2] =	sst s25  }
0xac: {  	s5 =	sshll.u32 s26, $0x1;
	_ =	strace $0x80000046;
	[dreg:$0x1] =	wrdreg $0xFFFFFFFF  }
0xad: {  	s28 =	simm.s32 $_size_execute0_lowered;
	s3 =	sadd.s32 s3, s5;
	[dreg:$0x0] =	wrdreg $0x0  }
0xae: {  	s5 =	sshll.u32 s28, $0x1;
	[dreg:$0x2] =	wrdreg s3  }
0xaf: {  	[dreg:$0x3] =	wrdreg s5  }
0xb0: {  	[dreg:$0x4] =	wrdreg $0xC0  }
0xb1: {  	_ =	task [dreg:s7], $0x5FFFF  }
0xb2: {  	[dreg:$0x1] =	wrdreg $0xFFFFFFFF  }
0xb3: {  	[dreg:$0x0] =	wrdreg $0x60  }
0xb4: {  	[dreg:$0x2] =	wrdreg s16  }
0xb5: {  	[dreg:$0x3] =	wrdreg s24  }
0xb6: {  	[dreg:$0x4] =	wrdreg $0xA  }
0xb7: {  	_ =	task.clear_ibuf [dreg:s7], $0x5FFFF;
	_ =	strace $0x90000046  }
0xb8: {  	s29 =	simm.s32 $0xA;
	_ =	strace $0x80000048  }
0xb9: {  	_ =	swait.ge [sflag:s29], $0x1  }
0xba: {  	[sflag:s29] =	ssyncadd.s32 $0xFFFFFFFF  }
0xbb: {  	_ =	strace $0x90000048  }
0xbc: {  	_ =	sfence  }
0xbd: {  	s30 =	sld [smem:$0x0];
	_ =	sdelay $0x2  }
0xbe: {  	s31 =	sshll.u32 s1, $0xD;
	s1 =	sshrl.u32 s1, $0x2  }
0xbf: {  	s3 =	sand.u32 $0x4000, s31;
	s1 =	sadd.s32 s1, s30  }
0xc0: {  	s0 =	sor.u32 s3, s0;
	s1 =	sshll.u32 s1, $0x11  }
0xc1: {  	s0 =	sor.u32 s1, s0  }
0xc2: {  	s0 =	sadd.s32 $0x8F2B, s0  }
0xc3: {  	[sflag:s0] =	ssyncadd.remote.s32 $0x1  }
0xc4: {  	_ =	sfence.sel $0xFFFF  }
0xc5: {  	[dreg:$0x0] =	wrdreg $0xFFFFFFFF;
	(pc) =	sbr.abs _section_cstart, $3  }
0xc6: {  	[dreg:$0x1] =	wrdreg $0xFFFFFFFF  }
0xc7: {  	_ =	task.clear_ibuf [dreg:s7], $0x2FFFF;
	_ =	strace $0x9FFFFFFF  }
0xc8: {  	(tm) =	ssettm $0x7FFFFFFF  }
0xc9: {  	_ =	shalt  }
tec
execute0_lowered:
.L_overlay_start_1:
0x0: {  	(tag) =	ssettag $0x1  }
0x1: {  	s1 =	srdreg.scid;
	s0 =	stileid.u32  }
0x2: {  	s1 =	sand.u32 $0x1, s1;
	s3 =	sshll.u32 s0, $0x1  }
0x3: {  	s5 =	sor.u32 s1, s3  }
0x4: {  	s2 =	rddreg [dreg:$0x0];
	s6 =	smul.u32 $0x180, s5  }
0x5: {  	s4 =	rddreg [dreg:$0x1];
	s3 =	simm.s32 $0x0;
	s7 =	smul.u32 $0xA000, s5  }
0x6: {  	s8 =	sadd.s32 $0x5200, s4;
	[smem:$0x7FF] =	sst s3;
	s6 =	sadd.s32 s6, s4  }
0x7: {  	s5 =	smul.u32 $0x50000, s5;
	s4 =	sadd.s32 s8, s7;
	s6 =	sadd.s32 $0x2200, s6  }
0x8: {  	_ =	strace $0x80000047;
	s12 =	sadd.s32 $0x800, s4;
	[dreg:$0x3] =	wrdreg s6  }
0x9: {  	s5 =	sshrl.u32 s5, $0x3;
	s13 =	sadd.s32 $0x1000, s4;
	[dreg:$0x4] =	wrdreg s12  }
0xa: {  	s14 =	sadd.s32 $0x1800, s4;
	s31 =	sadd.s32 s8, s5;
	[dreg:$0x5] =	wrdreg s13  }
0xb: {  	[dreg:$0x6] =	wrdreg s14;
	s5 =	sadd.s32 $0x2000, s31  }
0xc: {  	s15 =	sadd.s32 $0x2800, s31;
	[dreg:$0x7] =	wrdreg s5  }
0xd: {  	s16 =	sadd.s32 $0x3000, s31;
	[dreg:$0x8] =	wrdreg s15  }
0xe: {  	s17 =	sadd.s32 $0x3800, s31;
	[dreg:$0x9] =	wrdreg s16  }
0xf: {  	s18 =	sadd.s32 $0x4000, s31;
	[dreg:$0xa] =	wrdreg s17  }
0x10: {  	s19 =	sadd.s32 $0x4800, s31;
	[dreg:$0xb] =	wrdreg s18  }
0x11: {  	s20 =	sadd.s32 $0x5000, s31;
	[dreg:$0xc] =	wrdreg s19  }
0x12: {  	s21 =	sadd.s32 $0x5800, s31;
	[dreg:$0xd] =	wrdreg s20  }
0x13: {  	s22 =	sadd.s32 $0x6000, s31;
	[dreg:$0xe] =	wrdreg s21  }
0x14: {  	s23 =	sadd.s32 $0x6800, s31;
	[dreg:$0xf] =	wrdreg s22  }
0x15: {  	[dreg:$0x10] =	wrdreg s23  }
0x16: {  	s24 =	sadd.s32 $0x7000, s31;
	s25 =	rddreg [dreg:$0x3]  }
0x17: {  	s26 =	sadd.s32 $0x7800, s31;
	[dreg:$0x11] =	wrdreg s24  }
0x18: {  	[dreg:$0x12] =	wrdreg s26;
	s5 =	simm.s32 $0x2  }
0x19: {  	[tilespmem:s3], [sflag:$0x2] =	stream.linear.gather [hbm4b:s25+s3], $0xA00, $0x38;
	[tilespmem:$0x4C00] =	vst v63  }
0x1a: {  	_ =	swait.ge [sflag:s5], $0xA00  }
0x1b: {  	s7 =	simm.s32 $0xC00;
	[sflag:s5] =	ssyncset.done $0x0  }
0x1c: {  	s8 =	simm.s32 $0x1;
	s6 =	simm.s32 $0x80;
	[sflag:s5] =	ssyncadd.s32 $0xFFFFF600  }
0x1d: {  	[tilespmem:s7], [sflag:$0x1] =	stream.indirect.gather [hbm4b:s2+s6], $0x80, s3, s6, $0xb8;
	[tilespmem:$0x4C00] =	vst v63  }
0x1e: {  	_ =	swait.ge [sflag:s8], $0x4000  }
0x1f: {  	[sflag:s8] =	ssyncset.done $0x0  }
0x20: {  	[sflag:s8] =	ssyncadd.s32 $0xFFFFC000  }
0x21: {  	[hbm4b:s4+s3] =	stream.linear.scatter [tilespmem:s7], [sflag:$0x2], $0x4000, $0x38;
	[tilespmem:$0x4C00] =	vst v63  }
0x22: {  	_ =	swait.ge [sflag:s5], $0x4000  }
0x23: {  	[sflag:s5] =	ssyncset.done $0x0  }
0x24: {  	[sflag:s5] =	ssyncadd.s32 $0xFFFFC000  }
0x25: {  	[tilespmem:s7], [sflag:$0x1] =	stream.indirect.gather [hbm4b:s2+s6], $0x80, s6, s6, $0xb8;
	[tilespmem:$0x4C00] =	vst v63  }
0x26: {  	_ =	swait.ge [sflag:s8], $0x4000  }
0x27: {  	[sflag:s8] =	ssyncset.done $0x0  }
0x28: {  	s9 =	rddreg [dreg:$0x4];
	[sflag:s8] =	ssyncadd.s32 $0xFFFFC000  }
0x29: {  	[hbm4b:s9+s3] =	stream.linear.scatter [tilespmem:s7], [sflag:$0x2], $0x4000, $0x38;
	[tilespmem:$0x4C00] =	vst v63  }
0x2a: {  	_ =	swait.ge [sflag:s5], $0x4000  }
0x2b: {  	[sflag:s5] =	ssyncset.done $0x0  }
0x2c: {  	s9 =	simm.s32 $0x100;
	[sflag:s5] =	ssyncadd.s32 $0xFFFFC000  }
0x2d: {  	[tilespmem:s7], [sflag:$0x1] =	stream.indirect.gather [hbm4b:s2+s6], $0x80, s9, s6, $0xb8;
	[tilespmem:$0x4C00] =	vst v63  }
0x2e: {  	_ =	swait.ge [sflag:s8], $0x4000  }
0x2f: {  	[sflag:s8] =	ssyncset.done $0x0  }
0x30: {  	s10 =	rddreg [dreg:$0x5];
	[sflag:s8] =	ssyncadd.s32 $0xFFFFC000  }
0x31: {  	[hbm4b:s10+s3] =	stream.linear.scatter [tilespmem:s7], [sflag:$0x2], $0x4000, $0x38;
	[tilespmem:$0x4C00] =	vst v63  }
0x32: {  	_ =	swait.ge [sflag:s5], $0x4000  }
0x33: {  	[sflag:s5] =	ssyncset.done $0x0  }
0x34: {  	s10 =	simm.s32 $0x180;
	[sflag:s5] =	ssyncadd.s32 $0xFFFFC000  }
0x35: {  	[tilespmem:s7], [sflag:$0x1] =	stream.indirect.gather [hbm4b:s2+s6], $0x80, s10, s6, $0xb8;
	[tilespmem:$0x4C00] =	vst v63  }
0x36: {  	_ =	swait.ge [sflag:s8], $0x4000  }
0x37: {  	[sflag:s8] =	ssyncset.done $0x0  }
0x38: {  	s11 =	rddreg [dreg:$0x6];
	[sflag:s8] =	ssyncadd.s32 $0xFFFFC000  }
0x39: {  	[hbm4b:s11+s3] =	stream.linear.scatter [tilespmem:s7], [sflag:$0x2], $0x4000, $0x38;
	[tilespmem:$0x4C00] =	vst v63  }
0x3a: {  	_ =	swait.ge [sflag:s5], $0x4000  }
0x3b: {  	[sflag:s5] =	ssyncset.done $0x0  }
0x3c: {  	s11 =	simm.s32 $0x200;
	[sflag:s5] =	ssyncadd.s32 $0xFFFFC000  }
0x3d: {  	[tilespmem:s7], [sflag:$0x1] =	stream.indirect.gather [hbm4b:s2+s6], $0x80, s11, s6, $0xb8;
	[tilespmem:$0x4C00] =	vst v63  }
0x3e: {  	_ =	swait.ge [sflag:s8], $0x4000  }
0x3f: {  	[sflag:s8] =	ssyncset.done $0x0  }
0x40: {  	s12 =	rddreg [dreg:$0x7];
	[sflag:s8] =	ssyncadd.s32 $0xFFFFC000  }
0x41: {  	[hbm4b:s12+s3] =	stream.linear.scatter [tilespmem:s7], [sflag:$0x2], $0x4000, $0x38;
	[tilespmem:$0x4C00] =	vst v63  }
0x42: {  	_ =	swait.ge [sflag:s5], $0x4000  }
0x43: {  	[sflag:s5] =	ssyncset.done $0x0  }
0x44: {  	s12 =	simm.s32 $0x280;
	[sflag:s5] =	ssyncadd.s32 $0xFFFFC000  }
0x45: {  	[tilespmem:s7], [sflag:$0x1] =	stream.indirect.gather [hbm4b:s2+s6], $0x80, s12, s6, $0xb8;
	[tilespmem:$0x4C00] =	vst v63  }
0x46: {  	_ =	swait.ge [sflag:s8], $0x4000  }
0x47: {  	[sflag:s8] =	ssyncset.done $0x0  }
0x48: {  	s13 =	rddreg [dreg:$0x8];
	[sflag:s8] =	ssyncadd.s32 $0xFFFFC000  }
0x49: {  	[hbm4b:s13+s3] =	stream.linear.scatter [tilespmem:s7], [sflag:$0x2], $0x4000, $0x38;
	[tilespmem:$0x4C00] =	vst v63  }
0x4a: {  	_ =	swait.ge [sflag:s5], $0x4000  }
0x4b: {  	[sflag:s5] =	ssyncset.done $0x0  }
0x4c: {  	s13 =	simm.s32 $0x300;
	[sflag:s5] =	ssyncadd.s32 $0xFFFFC000  }
0x4d: {  	[tilespmem:s7], [sflag:$0x1] =	stream.indirect.gather [hbm4b:s2+s6], $0x80, s13, s6, $0xb8;
	[tilespmem:$0x4C00] =	vst v63  }
0x4e: {  	_ =	swait.ge [sflag:s8], $0x4000  }
0x4f: {  	[sflag:s8] =	ssyncset.done $0x0  }
0x50: {  	s14 =	rddreg [dreg:$0x9];
	[sflag:s8] =	ssyncadd.s32 $0xFFFFC000  }
0x51: {  	[hbm4b:s14+s3] =	stream.linear.scatter [tilespmem:s7], [sflag:$0x2], $0x4000, $0x38;
	[tilespmem:$0x4C00] =	vst v63  }
0x52: {  	_ =	swait.ge [sflag:s5], $0x4000  }
0x53: {  	[sflag:s5] =	ssyncset.done $0x0  }
0x54: {  	s14 =	simm.s32 $0x380;
	[sflag:s5] =	ssyncadd.s32 $0xFFFFC000  }
0x55: {  	[tilespmem:s7], [sflag:$0x1] =	stream.indirect.gather [hbm4b:s2+s6], $0x80, s14, s6, $0xb8;
	[tilespmem:$0x4C00] =	vst v63  }
0x56: {  	_ =	swait.ge [sflag:s8], $0x4000  }
0x57: {  	[sflag:s8] =	ssyncset.done $0x0  }
0x58: {  	s15 =	rddreg [dreg:$0xa];
	[sflag:s8] =	ssyncadd.s32 $0xFFFFC000  }
0x59: {  	[hbm4b:s15+s3] =	stream.linear.scatter [tilespmem:s7], [sflag:$0x2], $0x4000, $0x38;
	[tilespmem:$0x4C00] =	vst v63  }
0x5a: {  	_ =	swait.ge [sflag:s5], $0x4000  }
0x5b: {  	[sflag:s5] =	ssyncset.done $0x0  }
0x5c: {  	s15 =	simm.s32 $0x400;
	[sflag:s5] =	ssyncadd.s32 $0xFFFFC000  }
0x5d: {  	[tilespmem:s7], [sflag:$0x1] =	stream.indirect.gather [hbm4b:s2+s6], $0x80, s15, s6, $0xb8;
	[tilespmem:$0x4C00] =	vst v63  }
0x5e: {  	_ =	swait.ge [sflag:s8], $0x4000  }
0x5f: {  	[sflag:s8] =	ssyncset.done $0x0  }
0x60: {  	s16 =	rddreg [dreg:$0xb];
	[sflag:s8] =	ssyncadd.s32 $0xFFFFC000  }
0x61: {  	[hbm4b:s16+s3] =	stream.linear.scatter [tilespmem:s7], [sflag:$0x2], $0x4000, $0x38;
	[tilespmem:$0x4C00] =	vst v63  }
0x62: {  	_ =	swait.ge [sflag:s5], $0x4000  }
0x63: {  	[sflag:s5] =	ssyncset.done $0x0  }
0x64: {  	s16 =	simm.s32 $0x480;
	[sflag:s5] =	ssyncadd.s32 $0xFFFFC000  }
0x65: {  	[tilespmem:s7], [sflag:$0x1] =	stream.indirect.gather [hbm4b:s2+s6], $0x80, s16, s6, $0xb8;
	[tilespmem:$0x4C00] =	vst v63  }
0x66: {  	_ =	swait.ge [sflag:s8], $0x4000  }
0x67: {  	[sflag:s8] =	ssyncset.done $0x0  }
0x68: {  	s17 =	rddreg [dreg:$0xc];
	[sflag:s8] =	ssyncadd.s32 $0xFFFFC000  }
0x69: {  	[hbm4b:s17+s3] =	stream.linear.scatter [tilespmem:s7], [sflag:$0x2], $0x4000, $0x38;
	[tilespmem:$0x4C00] =	vst v63  }
0x6a: {  	_ =	swait.ge [sflag:s5], $0x4000  }
0x6b: {  	[sflag:s5] =	ssyncset.done $0x0  }
0x6c: {  	s17 =	simm.s32 $0x500;
	[sflag:s5] =	ssyncadd.s32 $0xFFFFC000  }
0x6d: {  	[tilespmem:s7], [sflag:$0x1] =	stream.indirect.gather [hbm4b:s2+s6], $0x80, s17, s6, $0xb8;
	[tilespmem:$0x4C00] =	vst v63  }
0x6e: {  	_ =	swait.ge [sflag:s8], $0x4000  }
0x6f: {  	[sflag:s8] =	ssyncset.done $0x0  }
0x70: {  	s18 =	rddreg [dreg:$0xd];
	[sflag:s8] =	ssyncadd.s32 $0xFFFFC000  }
0x71: {  	[hbm4b:s18+s3] =	stream.linear.scatter [tilespmem:s7], [sflag:$0x2], $0x4000, $0x38;
	[tilespmem:$0x4C00] =	vst v63  }
0x72: {  	_ =	swait.ge [sflag:s5], $0x4000  }
0x73: {  	[sflag:s5] =	ssyncset.done $0x0  }
0x74: {  	s18 =	simm.s32 $0x580;
	[sflag:s5] =	ssyncadd.s32 $0xFFFFC000  }
0x75: {  	[tilespmem:s7], [sflag:$0x1] =	stream.indirect.gather [hbm4b:s2+s6], $0x80, s18, s6, $0xb8;
	[tilespmem:$0x4C00] =	vst v63  }
0x76: {  	_ =	swait.ge [sflag:s8], $0x4000  }
0x77: {  	[sflag:s8] =	ssyncset.done $0x0  }
0x78: {  	s19 =	rddreg [dreg:$0xe];
	[sflag:s8] =	ssyncadd.s32 $0xFFFFC000  }
0x79: {  	[hbm4b:s19+s3] =	stream.linear.scatter [tilespmem:s7], [sflag:$0x2], $0x4000, $0x38;
	[tilespmem:$0x4C00] =	vst v63  }
0x7a: {  	_ =	swait.ge [sflag:s5], $0x4000  }
0x7b: {  	[sflag:s5] =	ssyncset.done $0x0  }
0x7c: {  	s19 =	simm.s32 $0x600;
	[sflag:s5] =	ssyncadd.s32 $0xFFFFC000  }
0x7d: {  	[tilespmem:s7], [sflag:$0x1] =	stream.indirect.gather [hbm4b:s2+s6], $0x80, s19, s6, $0xb8;
	[tilespmem:$0x4C00] =	vst v63  }
0x7e: {  	_ =	swait.ge [sflag:s8], $0x4000  }
0x7f: {  	[sflag:s8] =	ssyncset.done $0x0  }
0x80: {  	s20 =	rddreg [dreg:$0xf];
	[sflag:s8] =	ssyncadd.s32 $0xFFFFC000  }
0x81: {  	[hbm4b:s20+s3] =	stream.linear.scatter [tilespmem:s7], [sflag:$0x2], $0x4000, $0x38;
	[tilespmem:$0x4C00] =	vst v63  }
0x82: {  	_ =	swait.ge [sflag:s5], $0x4000  }
0x83: {  	[sflag:s5] =	ssyncset.done $0x0  }
0x84: {  	s20 =	simm.s32 $0x680;
	[sflag:s5] =	ssyncadd.s32 $0xFFFFC000  }
0x85: {  	[tilespmem:s7], [sflag:$0x1] =	stream.indirect.gather [hbm4b:s2+s6], $0x80, s20, s6, $0xb8;
	[tilespmem:$0x4C00] =	vst v63  }
0x86: {  	_ =	swait.ge [sflag:s8], $0x4000  }
0x87: {  	[sflag:s8] =	ssyncset.done $0x0  }
0x88: {  	s21 =	rddreg [dreg:$0x10];
	[sflag:s8] =	ssyncadd.s32 $0xFFFFC000  }
0x89: {  	[hbm4b:s21+s3] =	stream.linear.scatter [tilespmem:s7], [sflag:$0x2], $0x4000, $0x38;
	[tilespmem:$0x4C00] =	vst v63  }
0x8a: {  	_ =	swait.ge [sflag:s5], $0x4000  }
0x8b: {  	[sflag:s5] =	ssyncset.done $0x0  }
0x8c: {  	s21 =	simm.s32 $0x700;
	[sflag:s5] =	ssyncadd.s32 $0xFFFFC000  }
0x8d: {  	[tilespmem:s7], [sflag:$0x1] =	stream.indirect.gather [hbm4b:s2+s6], $0x80, s21, s6, $0xb8;
	[tilespmem:$0x4C00] =	vst v63  }
0x8e: {  	_ =	swait.ge [sflag:s8], $0x4000  }
0x8f: {  	[sflag:s8] =	ssyncset.done $0x0  }
0x90: {  	s22 =	rddreg [dreg:$0x11];
	[sflag:s8] =	ssyncadd.s32 $0xFFFFC000  }
0x91: {  	[hbm4b:s22+s3] =	stream.linear.scatter [tilespmem:s7], [sflag:$0x2], $0x4000, $0x38;
	[tilespmem:$0x4C00] =	vst v63  }
0x92: {  	_ =	swait.ge [sflag:s5], $0x4000  }
0x93: {  	[sflag:s5] =	ssyncset.done $0x0  }
0x94: {  	s22 =	simm.s32 $0x780;
	[sflag:s5] =	ssyncadd.s32 $0xFFFFC000  }
0x95: {  	[tilespmem:s7], [sflag:$0x1] =	stream.indirect.gather [hbm4b:s2+s6], $0x80, s22, s6, $0xb8;
	[tilespmem:$0x4C00] =	vst v63  }
0x96: {  	_ =	swait.ge [sflag:s8], $0x4000  }
0x97: {  	[sflag:s8] =	ssyncset.done $0x0  }
0x98: {  	s23 =	rddreg [dreg:$0x12];
	[sflag:s8] =	ssyncadd.s32 $0xFFFFC000  }
0x99: {  	[hbm4b:s23+s3] =	stream.linear.scatter [tilespmem:s7], [sflag:$0x2], $0x4000, $0x38;
	[tilespmem:$0x4C00] =	vst v63  }
0x9a: {  	_ =	swait.ge [sflag:s5], $0x4000  }
0x9b: {  	[sflag:s5] =	ssyncset.done $0x0  }
0x9c: {  	s23 =	simm.s32 $0x800;
	[sflag:s5] =	ssyncadd.s32 $0xFFFFC000  }
0x9d: {  	[tilespmem:s7], [sflag:$0x1] =	stream.indirect.gather [hbm4b:s2+s6], $0x80, s23, s6, $0xb8;
	[tilespmem:$0x4C00] =	vst v63  }
0x9e: {  	_ =	swait.ge [sflag:s8], $0x4000  }
0x9f: {  	[sflag:s8] =	ssyncset.done $0x0  }
0xa0: {  	s24 =	sadd.s32 $0x8000, s31;
	[sflag:s8] =	ssyncadd.s32 $0xFFFFC000  }
0xa1: {  	[hbm4b:s24+s3] =	stream.linear.scatter [tilespmem:s7], [sflag:$0x2], $0x4000, $0x38;
	[tilespmem:$0x4C00] =	vst v63  }
0xa2: {  	_ =	swait.ge [sflag:s5], $0x4000  }
0xa3: {  	[sflag:s5] =	ssyncset.done $0x0  }
0xa4: {  	s25 =	simm.s32 $0x880;
	[sflag:s5] =	ssyncadd.s32 $0xFFFFC000  }
0xa5: {  	[tilespmem:s7], [sflag:$0x1] =	stream.indirect.gather [hbm4b:s2+s6], $0x80, s25, s6, $0xb8;
	[tilespmem:$0x4C00] =	vst v63  }
0xa6: {  	_ =	swait.ge [sflag:s8], $0x4000  }
0xa7: {  	[sflag:s8] =	ssyncset.done $0x0  }
0xa8: {  	s26 =	sadd.s32 $0x8800, s31;
	[sflag:s8] =	ssyncadd.s32 $0xFFFFC000  }
0xa9: {  	[hbm4b:s26+s3] =	stream.linear.scatter [tilespmem:s7], [sflag:$0x2], $0x4000, $0x38;
	[tilespmem:$0x4C00] =	vst v63  }
0xaa: {  	_ =	swait.ge [sflag:s5], $0x4000  }
0xab: {  	[sflag:s5] =	ssyncset.done $0x0  }
0xac: {  	s28 =	simm.s32 $0x900;
	[sflag:s5] =	ssyncadd.s32 $0xFFFFC000  }
0xad: {  	[tilespmem:s7], [sflag:$0x1] =	stream.indirect.gather [hbm4b:s2+s6], $0x80, s28, s6, $0xb8;
	[tilespmem:$0x4C00] =	vst v63  }
0xae: {  	_ =	swait.ge [sflag:s8], $0x4000  }
0xaf: {  	s1 =	ssub.s32 $0x2, s1;
	[sflag:s8] =	ssyncset.done $0x0  }
0xb0: {  	s0 =	sshrl.u32 s1, $0x1;
	s29 =	sadd.s32 $0x9000, s31;
	[sflag:s8] =	ssyncadd.s32 $0xFFFFC000  }
0xb1: {  	[hbm4b:s29+s3] =	stream.linear.scatter [tilespmem:s7], [sflag:$0x2], $0x4000, $0x38;
	[tilespmem:$0x4C00] =	vst v63  }
0xb2: {  	s0 =	ssub.s32 s1, s0;
	_ =	swait.ge [sflag:s5], $0x4000  }
0xb3: {  	s0 =	smax.u32 s0, $0x1;
	[sflag:s5] =	ssyncset.done $0x0  }
0xb4: {  	s30 =	simm.s32 $0x980;
	p0 =	sne.s32 s0, $0x1;
	[sflag:s5] =	ssyncadd.s32 $0xFFFFC000  }
0xb5: {  	[tilespmem:s7], [sflag:$0x1] =	stream.indirect.gather [hbm4b:s2+s6], $0x80, s30, s6, $0xb8;
	[tilespmem:$0x4C00] =	vst v63  }
.Ltmp0:
0xb6: {  	_ =	swait.ge [sflag:s8], $0x4000;
	(pc) =	sbr.rel @!p0 .LBB2_2-.Ltmp0, $4  }
0xb7: {  	[sflag:s8] =	ssyncset.done $0x0  }
0xb8: {  	s31 =	sadd.s32 $0x9800, s31;
	[sflag:s8] =	ssyncadd.s32 $0xFFFFC000  }
0xb9: {  	[hbm4b:s31+s3] =	stream.linear.scatter [tilespmem:s7], [sflag:$0x2], $0x4000, $0x38;
	[tilespmem:$0x4C00] =	vst v63  }
0xba: {  	s1 =	sadd.s32 $0xFFFFFFFF, s0;
	_ =	swait.ge [sflag:s5], $0x4000  }
.LBB2_1:
0xbb: {  	[sflag:s5] =	ssyncset.done $0x0  }
0xbc: {  	s0 =	rddreg [dreg:$0x3];
	[sflag:s5] =	ssyncadd.s32 $0xFFFFC000  }
0xbd: {  	[tilespmem:s3], [sflag:$0x2] =	stream.linear.gather [hbm4b:s0+s3], $0xA00, $0x38;
	[tilespmem:$0x4C00] =	vst v63  }
0xbe: {  	_ =	swait.ge [sflag:s5], $0xA00  }
0xbf: {  	[sflag:s5] =	ssyncset.done $0x0  }
0xc0: {  	[sflag:s5] =	ssyncadd.s32 $0xFFFFF600  }
0xc1: {  	[tilespmem:s7], [sflag:$0x1] =	stream.indirect.gather [hbm4b:s2+s6], $0x80, s3, s6, $0xb8;
	[tilespmem:$0x4C00] =	vst v63  }
0xc2: {  	_ =	swait.ge [sflag:s8], $0x4000  }
0xc3: {  	[sflag:s8] =	ssyncset.done $0x0  }
0xc4: {  	[sflag:s8] =	ssyncadd.s32 $0xFFFFC000  }
0xc5: {  	[hbm4b:s4+s3] =	stream.linear.scatter [tilespmem:s7], [sflag:$0x2], $0x4000, $0x38;
	[tilespmem:$0x4C00] =	vst v63  }
0xc6: {  	_ =	swait.ge [sflag:s5], $0x4000  }
0xc7: {  	[sflag:s5] =	ssyncset.done $0x0  }
0xc8: {  	[sflag:s5] =	ssyncadd.s32 $0xFFFFC000  }
0xc9: {  	[tilespmem:s7], [sflag:$0x1] =	stream.indirect.gather [hbm4b:s2+s6], $0x80, s6, s6, $0xb8;
	[tilespmem:$0x4C00] =	vst v63  }
0xca: {  	_ =	swait.ge [sflag:s8], $0x4000  }
0xcb: {  	[sflag:s8] =	ssyncset.done $0x0  }
0xcc: {  	s0 =	rddreg [dreg:$0x4];
	[sflag:s8] =	ssyncadd.s32 $0xFFFFC000  }
0xcd: {  	[hbm4b:s0+s3] =	stream.linear.scatter [tilespmem:s7], [sflag:$0x2], $0x4000, $0x38;
	[tilespmem:$0x4C00] =	vst v63  }
0xce: {  	_ =	swait.ge [sflag:s5], $0x4000  }
0xcf: {  	[sflag:s5] =	ssyncset.done $0x0  }
0xd0: {  	[sflag:s5] =	ssyncadd.s32 $0xFFFFC000  }
0xd1: {  	[tilespmem:s7], [sflag:$0x1] =	stream.indirect.gather [hbm4b:s2+s6], $0x80, s9, s6, $0xb8;
	[tilespmem:$0x4C00] =	vst v63  }
0xd2: {  	_ =	swait.ge [sflag:s8], $0x4000  }
0xd3: {  	[sflag:s8] =	ssyncset.done $0x0  }
0xd4: {  	s0 =	rddreg [dreg:$0x5];
	[sflag:s8] =	ssyncadd.s32 $0xFFFFC000  }
0xd5: {  	[hbm4b:s0+s3] =	stream.linear.scatter [tilespmem:s7], [sflag:$0x2], $0x4000, $0x38;
	[tilespmem:$0x4C00] =	vst v63  }
0xd6: {  	_ =	swait.ge [sflag:s5], $0x4000  }
0xd7: {  	[sflag:s5] =	ssyncset.done $0x0  }
0xd8: {  	[sflag:s5] =	ssyncadd.s32 $0xFFFFC000  }
0xd9: {  	[tilespmem:s7], [sflag:$0x1] =	stream.indirect.gather [hbm4b:s2+s6], $0x80, s10, s6, $0xb8;
	[tilespmem:$0x4C00] =	vst v63  }
0xda: {  	_ =	swait.ge [sflag:s8], $0x4000  }
0xdb: {  	[sflag:s8] =	ssyncset.done $0x0  }
0xdc: {  	s0 =	rddreg [dreg:$0x6];
	[sflag:s8] =	ssyncadd.s32 $0xFFFFC000  }
0xdd: {  	[hbm4b:s0+s3] =	stream.linear.scatter [tilespmem:s7], [sflag:$0x2], $0x4000, $0x38;
	[tilespmem:$0x4C00] =	vst v63  }
0xde: {  	_ =	swait.ge [sflag:s5], $0x4000  }
0xdf: {  	[sflag:s5] =	ssyncset.done $0x0  }
0xe0: {  	[sflag:s5] =	ssyncadd.s32 $0xFFFFC000  }
0xe1: {  	[tilespmem:s7], [sflag:$0x1] =	stream.indirect.gather [hbm4b:s2+s6], $0x80, s11, s6, $0xb8;
	[tilespmem:$0x4C00] =	vst v63  }
0xe2: {  	_ =	swait.ge [sflag:s8], $0x4000  }
0xe3: {  	[sflag:s8] =	ssyncset.done $0x0  }
0xe4: {  	s0 =	rddreg [dreg:$0x7];
	[sflag:s8] =	ssyncadd.s32 $0xFFFFC000  }
0xe5: {  	[hbm4b:s0+s3] =	stream.linear.scatter [tilespmem:s7], [sflag:$0x2], $0x4000, $0x38;
	[tilespmem:$0x4C00] =	vst v63  }
0xe6: {  	_ =	swait.ge [sflag:s5], $0x4000  }
0xe7: {  	[sflag:s5] =	ssyncset.done $0x0  }
0xe8: {  	[sflag:s5] =	ssyncadd.s32 $0xFFFFC000  }
0xe9: {  	[tilespmem:s7], [sflag:$0x1] =	stream.indirect.gather [hbm4b:s2+s6], $0x80, s12, s6, $0xb8;
	[tilespmem:$0x4C00] =	vst v63  }
0xea: {  	_ =	swait.ge [sflag:s8], $0x4000  }
0xeb: {  	[sflag:s8] =	ssyncset.done $0x0  }
0xec: {  	s0 =	rddreg [dreg:$0x8];
	[sflag:s8] =	ssyncadd.s32 $0xFFFFC000  }
0xed: {  	[hbm4b:s0+s3] =	stream.linear.scatter [tilespmem:s7], [sflag:$0x2], $0x4000, $0x38;
	[tilespmem:$0x4C00] =	vst v63  }
0xee: {  	_ =	swait.ge [sflag:s5], $0x4000  }
0xef: {  	[sflag:s5] =	ssyncset.done $0x0  }
0xf0: {  	[sflag:s5] =	ssyncadd.s32 $0xFFFFC000  }
0xf1: {  	[tilespmem:s7], [sflag:$0x1] =	stream.indirect.gather [hbm4b:s2+s6], $0x80, s13, s6, $0xb8;
	[tilespmem:$0x4C00] =	vst v63  }
0xf2: {  	_ =	swait.ge [sflag:s8], $0x4000  }
0xf3: {  	[sflag:s8] =	ssyncset.done $0x0  }
0xf4: {  	s0 =	rddreg [dreg:$0x9];
	[sflag:s8] =	ssyncadd.s32 $0xFFFFC000  }
0xf5: {  	[hbm4b:s0+s3] =	stream.linear.scatter [tilespmem:s7], [sflag:$0x2], $0x4000, $0x38;
	[tilespmem:$0x4C00] =	vst v63  }
0xf6: {  	_ =	swait.ge [sflag:s5], $0x4000  }
0xf7: {  	[sflag:s5] =	ssyncset.done $0x0  }
0xf8: {  	[sflag:s5] =	ssyncadd.s32 $0xFFFFC000  }
0xf9: {  	[tilespmem:s7], [sflag:$0x1] =	stream.indirect.gather [hbm4b:s2+s6], $0x80, s14, s6, $0xb8;
	[tilespmem:$0x4C00] =	vst v63  }
0xfa: {  	_ =	swait.ge [sflag:s8], $0x4000  }
0xfb: {  	[sflag:s8] =	ssyncset.done $0x0  }
0xfc: {  	s0 =	rddreg [dreg:$0xa];
	[sflag:s8] =	ssyncadd.s32 $0xFFFFC000  }
0xfd: {  	[hbm4b:s0+s3] =	stream.linear.scatter [tilespmem:s7], [sflag:$0x2], $0x4000, $0x38;
	[tilespmem:$0x4C00] =	vst v63  }
0xfe: {  	_ =	swait.ge [sflag:s5], $0x4000  }
0xff: {  	[sflag:s5] =	ssyncset.done $0x0  }
0x100: {  	[sflag:s5] =	ssyncadd.s32 $0xFFFFC000  }
0x101: {  	[tilespmem:s7], [sflag:$0x1] =	stream.indirect.gather [hbm4b:s2+s6], $0x80, s15, s6, $0xb8;
	[tilespmem:$0x4C00] =	vst v63  }
0x102: {  	_ =	swait.ge [sflag:s8], $0x4000  }
0x103: {  	[sflag:s8] =	ssyncset.done $0x0  }
0x104: {  	s0 =	rddreg [dreg:$0xb];
	[sflag:s8] =	ssyncadd.s32 $0xFFFFC000  }
0x105: {  	[hbm4b:s0+s3] =	stream.linear.scatter [tilespmem:s7], [sflag:$0x2], $0x4000, $0x38;
	[tilespmem:$0x4C00] =	vst v63  }
0x106: {  	_ =	swait.ge [sflag:s5], $0x4000  }
0x107: {  	[sflag:s5] =	ssyncset.done $0x0  }
0x108: {  	[sflag:s5] =	ssyncadd.s32 $0xFFFFC000  }
0x109: {  	[tilespmem:s7], [sflag:$0x1] =	stream.indirect.gather [hbm4b:s2+s6], $0x80, s16, s6, $0xb8;
	[tilespmem:$0x4C00] =	vst v63  }
0x10a: {  	_ =	swait.ge [sflag:s8], $0x4000  }
0x10b: {  	[sflag:s8] =	ssyncset.done $0x0  }
0x10c: {  	s0 =	rddreg [dreg:$0xc];
	[sflag:s8] =	ssyncadd.s32 $0xFFFFC000  }
0x10d: {  	[hbm4b:s0+s3] =	stream.linear.scatter [tilespmem:s7], [sflag:$0x2], $0x4000, $0x38;
	[tilespmem:$0x4C00] =	vst v63  }
0x10e: {  	_ =	swait.ge [sflag:s5], $0x4000  }
0x10f: {  	[sflag:s5] =	ssyncset.done $0x0  }
0x110: {  	[sflag:s5] =	ssyncadd.s32 $0xFFFFC000  }
0x111: {  	[tilespmem:s7], [sflag:$0x1] =	stream.indirect.gather [hbm4b:s2+s6], $0x80, s17, s6, $0xb8;
	[tilespmem:$0x4C00] =	vst v63  }
0x112: {  	_ =	swait.ge [sflag:s8], $0x4000  }
0x113: {  	[sflag:s8] =	ssyncset.done $0x0  }
0x114: {  	s0 =	rddreg [dreg:$0xd];
	[sflag:s8] =	ssyncadd.s32 $0xFFFFC000  }
0x115: {  	[hbm4b:s0+s3] =	stream.linear.scatter [tilespmem:s7], [sflag:$0x2], $0x4000, $0x38;
	[tilespmem:$0x4C00] =	vst v63  }
0x116: {  	_ =	swait.ge [sflag:s5], $0x4000  }
0x117: {  	[sflag:s5] =	ssyncset.done $0x0  }
0x118: {  	[sflag:s5] =	ssyncadd.s32 $0xFFFFC000  }
0x119: {  	[tilespmem:s7], [sflag:$0x1] =	stream.indirect.gather [hbm4b:s2+s6], $0x80, s18, s6, $0xb8;
	[tilespmem:$0x4C00] =	vst v63  }
0x11a: {  	_ =	swait.ge [sflag:s8], $0x4000  }
0x11b: {  	[sflag:s8] =	ssyncset.done $0x0  }
0x11c: {  	s0 =	rddreg [dreg:$0xe];
	[sflag:s8] =	ssyncadd.s32 $0xFFFFC000  }
0x11d: {  	[hbm4b:s0+s3] =	stream.linear.scatter [tilespmem:s7], [sflag:$0x2], $0x4000, $0x38;
	[tilespmem:$0x4C00] =	vst v63  }
0x11e: {  	_ =	swait.ge [sflag:s5], $0x4000  }
0x11f: {  	[sflag:s5] =	ssyncset.done $0x0  }
0x120: {  	[sflag:s5] =	ssyncadd.s32 $0xFFFFC000  }
0x121: {  	[tilespmem:s7], [sflag:$0x1] =	stream.indirect.gather [hbm4b:s2+s6], $0x80, s19, s6, $0xb8;
	[tilespmem:$0x4C00] =	vst v63  }
0x122: {  	_ =	swait.ge [sflag:s8], $0x4000  }
0x123: {  	[sflag:s8] =	ssyncset.done $0x0  }
0x124: {  	s0 =	rddreg [dreg:$0xf];
	[sflag:s8] =	ssyncadd.s32 $0xFFFFC000  }
0x125: {  	[hbm4b:s0+s3] =	stream.linear.scatter [tilespmem:s7], [sflag:$0x2], $0x4000, $0x38;
	[tilespmem:$0x4C00] =	vst v63  }
0x126: {  	_ =	swait.ge [sflag:s5], $0x4000  }
0x127: {  	[sflag:s5] =	ssyncset.done $0x0  }
0x128: {  	[sflag:s5] =	ssyncadd.s32 $0xFFFFC000  }
0x129: {  	[tilespmem:s7], [sflag:$0x1] =	stream.indirect.gather [hbm4b:s2+s6], $0x80, s20, s6, $0xb8;
	[tilespmem:$0x4C00] =	vst v63  }
0x12a: {  	_ =	swait.ge [sflag:s8], $0x4000  }
0x12b: {  	[sflag:s8] =	ssyncset.done $0x0  }
0x12c: {  	s0 =	rddreg [dreg:$0x10];
	[sflag:s8] =	ssyncadd.s32 $0xFFFFC000  }
0x12d: {  	[hbm4b:s0+s3] =	stream.linear.scatter [tilespmem:s7], [sflag:$0x2], $0x4000, $0x38;
	[tilespmem:$0x4C00] =	vst v63  }
0x12e: {  	_ =	swait.ge [sflag:s5], $0x4000  }
0x12f: {  	[sflag:s5] =	ssyncset.done $0x0  }
0x130: {  	[sflag:s5] =	ssyncadd.s32 $0xFFFFC000  }
0x131: {  	[tilespmem:s7], [sflag:$0x1] =	stream.indirect.gather [hbm4b:s2+s6], $0x80, s21, s6, $0xb8;
	[tilespmem:$0x4C00] =	vst v63  }
0x132: {  	_ =	swait.ge [sflag:s8], $0x4000  }
0x133: {  	[sflag:s8] =	ssyncset.done $0x0  }
0x134: {  	s0 =	rddreg [dreg:$0x11];
	[sflag:s8] =	ssyncadd.s32 $0xFFFFC000  }
0x135: {  	[hbm4b:s0+s3] =	stream.linear.scatter [tilespmem:s7], [sflag:$0x2], $0x4000, $0x38;
	[tilespmem:$0x4C00] =	vst v63  }
0x136: {  	_ =	swait.ge [sflag:s5], $0x4000  }
0x137: {  	[sflag:s5] =	ssyncset.done $0x0  }
0x138: {  	[sflag:s5] =	ssyncadd.s32 $0xFFFFC000  }
0x139: {  	[tilespmem:s7], [sflag:$0x1] =	stream.indirect.gather [hbm4b:s2+s6], $0x80, s22, s6, $0xb8;
	[tilespmem:$0x4C00] =	vst v63  }
0x13a: {  	_ =	swait.ge [sflag:s8], $0x4000  }
0x13b: {  	[sflag:s8] =	ssyncset.done $0x0  }
0x13c: {  	s0 =	rddreg [dreg:$0x12];
	[sflag:s8] =	ssyncadd.s32 $0xFFFFC000  }
0x13d: {  	[hbm4b:s0+s3] =	stream.linear.scatter [tilespmem:s7], [sflag:$0x2], $0x4000, $0x38;
	[tilespmem:$0x4C00] =	vst v63  }
0x13e: {  	_ =	swait.ge [sflag:s5], $0x4000  }
0x13f: {  	[sflag:s5] =	ssyncset.done $0x0  }
0x140: {  	[sflag:s5] =	ssyncadd.s32 $0xFFFFC000  }
0x141: {  	[tilespmem:s7], [sflag:$0x1] =	stream.indirect.gather [hbm4b:s2+s6], $0x80, s23, s6, $0xb8;
	[tilespmem:$0x4C00] =	vst v63  }
0x142: {  	_ =	swait.ge [sflag:s8], $0x4000  }
0x143: {  	[sflag:s8] =	ssyncset.done $0x0  }
0x144: {  	[sflag:s8] =	ssyncadd.s32 $0xFFFFC000  }
0x145: {  	[hbm4b:s24+s3] =	stream.linear.scatter [tilespmem:s7], [sflag:$0x2], $0x4000, $0x38;
	[tilespmem:$0x4C00] =	vst v63  }
0x146: {  	_ =	swait.ge [sflag:s5], $0x4000  }
0x147: {  	[sflag:s5] =	ssyncset.done $0x0  }
0x148: {  	[sflag:s5] =	ssyncadd.s32 $0xFFFFC000  }
0x149: {  	[tilespmem:s7], [sflag:$0x1] =	stream.indirect.gather [hbm4b:s2+s6], $0x80, s25, s6, $0xb8;
	[tilespmem:$0x4C00] =	vst v63  }
0x14a: {  	_ =	swait.ge [sflag:s8], $0x4000  }
0x14b: {  	[sflag:s8] =	ssyncset.done $0x0  }
0x14c: {  	[sflag:s8] =	ssyncadd.s32 $0xFFFFC000  }
0x14d: {  	[hbm4b:s26+s3] =	stream.linear.scatter [tilespmem:s7], [sflag:$0x2], $0x4000, $0x38;
	[tilespmem:$0x4C00] =	vst v63  }
0x14e: {  	_ =	swait.ge [sflag:s5], $0x4000  }
0x14f: {  	[sflag:s5] =	ssyncset.done $0x0  }
0x150: {  	[sflag:s5] =	ssyncadd.s32 $0xFFFFC000  }
0x151: {  	[tilespmem:s7], [sflag:$0x1] =	stream.indirect.gather [hbm4b:s2+s6], $0x80, s28, s6, $0xb8;
	[tilespmem:$0x4C00] =	vst v63  }
0x152: {  	_ =	swait.ge [sflag:s8], $0x4000  }
0x153: {  	[sflag:s8] =	ssyncset.done $0x0  }
0x154: {  	[sflag:s8] =	ssyncadd.s32 $0xFFFFC000  }
0x155: {  	[hbm4b:s29+s3] =	stream.linear.scatter [tilespmem:s7], [sflag:$0x2], $0x4000, $0x38;
	[tilespmem:$0x4C00] =	vst v63  }
0x156: {  	_ =	swait.ge [sflag:s5], $0x4000  }
0x157: {  	[sflag:s5] =	ssyncset.done $0x0  }
0x158: {  	p0 =	sne.s32 s1, $0x1;
	[sflag:s5] =	ssyncadd.s32 $0xFFFFC000  }
0x159: {  	[tilespmem:s7], [sflag:$0x1] =	stream.indirect.gather [hbm4b:s2+s6], $0x80, s30, s6, $0xb8;
	[tilespmem:$0x4C00] =	vst v63  }
.Ltmp1:
0x15a: {  	_ =	swait.ge [sflag:s8], $0x4000;
	(pc) =	sbr.rel @p0 .LBB2_1-.Ltmp1, $4  }
0x15b: {  	[sflag:s8] =	ssyncset.done $0x0  }
0x15c: {  	[sflag:s8] =	ssyncadd.s32 $0xFFFFC000  }
0x15d: {  	[hbm4b:s31+s3] =	stream.linear.scatter [tilespmem:s7], [sflag:$0x2], $0x4000, $0x38;
	[tilespmem:$0x4C00] =	vst v63  }
0x15e: {  	s1 =	sadd.s32 $0xFFFFFFFF, s1;
	_ =	swait.ge [sflag:s5], $0x4000  }
.LBB2_2:
0x15f: {  	[sflag:s5] =	ssyncset.done $0x0  }
0x160: {  	[sflag:s5] =	ssyncadd.s32 $0xFFFFC000  }
0x161: {  	_ =	sfence.sel $0x180000  }
0x162: {  	[bflag:$0x0] =	sbarrier.arrive $0xFFFF  }
0x163: {  	_ =	strace $0x90000047  }
0x164: {  	s0 =	stileid.u32;
	[bflag:$0x2] =	sbarrier.arrive $0xFFFF  }
0x165: {  	p0 =	sne.s32 s0, $0x0;
	s0 =	rddreg [dreg:$0x2]  }
0x166: {  	s0 =	sadd.s32 @!p0 $0x100000, s0  }
0x167: {  	[sflag:s0] =	ssyncadd.tile.s32 @!p0 $0x1;
	_ =	shalt  }
.Lfunc_end2:
_tile_overlayer_lowered:
.L_overlay_start_2:
0x168: {  	(tag) =	ssettag $0x2  }
0x169: {  	s0 =	rddreg [dreg:$0x0];
	s2 =	stileid.u32  }
0x16a: {  	s1 =	rddreg [dreg:$0x1];
	p0 =	sne.s32 s2, $0x0  }
0x16b: {  	s3 =	rddreg [dreg:$0x2];
	[bflag:$0x3] =	sbarrier.arrive $0xFFFF;
	s2 =	simm.s32 @!p0 $0x1C02  }
0x16c: {  	[timem:s3], [sflag:s2] =	dma.local @!p0 [hbm:s0], s1  }
0x16d: {  	s0 =	simm.s32 @!p0 $0x2  }
0x16e: {  	_ =	swait.ge @!p0 [sflag:s0], s1  }
0x16f: {  	s1 =	ssub.s32 @!p0 $0x0, s1;
	[sflag:s0] =	ssyncset.done @!p0 $0x0  }
0x170: {  	[sflag:s0] =	ssyncadd.s32 @!p0 s1  }
0x171: {  	[bflag:$0x3] =	sbarrier.arrive $0xFFFF  }
0x172: {  	_ =	shalt  }

</sc_bundles>
